<compile_context>
chip_gen: v7x
topology: tpu7x:2x2x1
jax: 0.10.2.dev20260603
libtpu: 0.0.44.dev20260713+nightly
codegen_flags: <defaults>
</compile_context>

<pallas_src>
import functools

import jax
import jax.numpy as jnp
from jax import lax
from jax.experimental import pallas as pl
from jax.experimental.pallas import tpu as pltpu
from jax.experimental.pallas import tpu_sc as plsc

N = 10000
E = 320000
D_IN = 128
D_HID = 16
N_CLASSES = 40

NC, NS = 2, 16
TILES = NC * NS
EPT = E // TILES
CHUNK = 80
NCHUNKS = EPT // CHUNK
RPT = 624
RPT_LAST = N - 15 * RPT

_BLK = 2000



def _make_seg_sum(D):
    mesh = plsc.VectorSubcoreMesh(core_axis_name="c", subcore_axis_name="s")

    @functools.partial(
        pl.kernel,
        out_type=jax.ShapeDtypeStruct((NC * N, D), jnp.float32),
        mesh=mesh,
        scratch_types=[
            pltpu.VMEM_SHARED((N, D), jnp.float32),
            pltpu.VMEM((CHUNK,), jnp.int32),
            pltpu.VMEM((CHUNK,), jnp.int32),
            pltpu.VMEM((CHUNK, D), jnp.float32),
            pltpu.SemaphoreType.DMA,
        ],
        compiler_params=pltpu.CompilerParams(use_tc_tiling_on_sc=False),
    )
    def seg_sum(vals_hbm, src_hbm, dst_hbm, zeros_hbm, out_hbm,
                acc, sidx, didx, rows, sem):
        c = lax.axis_index("c")
        s = lax.axis_index("s")
        base = (c * NS + s) * EPT

        @pl.when(s == 0)
        def _zero():
            pltpu.sync_copy(zeros_hbm, acc)

        plsc.subcore_barrier()

        def body(i, carry):
            off = base + i * CHUNK
            pltpu.sync_copy(src_hbm.at[pl.ds(off, CHUNK)], sidx)
            pltpu.sync_copy(dst_hbm.at[pl.ds(off, CHUNK)], didx)
            pltpu.async_copy(vals_hbm.at[sidx], rows, sem).wait()
            pltpu.sync_copy(rows, acc.at[didx], add=True)
            return carry

        lax.fori_loop(0, NCHUNKS, body, 0)

        plsc.subcore_barrier()

        @pl.when(s < NS - 1)
        def _copy_out():
            pltpu.sync_copy(acc.at[pl.ds(s * RPT, RPT)],
                            out_hbm.at[pl.ds(c * N + s * RPT, RPT)])

        @pl.when(s == NS - 1)
        def _copy_out_last():
            pltpu.sync_copy(acc.at[pl.ds(15 * RPT, RPT_LAST)],
                            out_hbm.at[pl.ds(c * N + 15 * RPT, RPT_LAST)])

    return seg_sum


_seg32 = _make_seg_sum(32)
_seg16 = _make_seg_sum(16)



def _mm1_body(x_ref, w1_ref, e1_ref, wr_ref, p1_ref, r1_ref):
    xb = x_ref[...]
    p1_ref[...] = jnp.dot(xb, w1_ref[...],
                          preferred_element_type=jnp.float32) + e1_ref[...]
    r1_ref[...] = jnp.dot(xb, wr_ref[...], preferred_element_type=jnp.float32)


def _mm1(x, w1ext, e16, wr1t):
    return pl.pallas_call(
        _mm1_body,
        grid=(N // _BLK,),
        in_specs=[
            pl.BlockSpec((_BLK, D_IN), lambda i: (i, 0)),
            pl.BlockSpec((D_IN, 32), lambda i: (0, 0)),
            pl.BlockSpec((1, 32), lambda i: (0, 0)),
            pl.BlockSpec((D_IN, D_HID), lambda i: (0, 0)),
        ],
        out_specs=[
            pl.BlockSpec((_BLK, 32), lambda i: (i, 0)),
            pl.BlockSpec((_BLK, D_HID), lambda i: (i, 0)),
        ],
        out_shape=[
            jax.ShapeDtypeStruct((N, 32), jnp.float32),
            jax.ShapeDtypeStruct((N, D_HID), jnp.float32),
        ],
    )(x, w1ext, e16, wr1t)


def _h_body(p_ref, r1_ref, b1_ref, h_ref, dinv_ref):
    pv = p_ref[0] + p_ref[1]
    agg = pv[:, :D_HID]
    deg = pv[:, D_HID:D_HID + 1]
    dinv = 1.0 / jnp.maximum(deg, 1.0)
    h_ref[...] = jnp.maximum(agg * dinv + b1_ref[...] + r1_ref[...], 0.0)
    dinv_ref[...] = dinv


def _h_stage(P, r1, b1):
    return pl.pallas_call(
        _h_body,
        grid=(N // _BLK,),
        in_specs=[
            pl.BlockSpec((2, _BLK, 32), lambda i: (0, i, 0)),
            pl.BlockSpec((_BLK, D_HID), lambda i: (i, 0)),
            pl.BlockSpec((1, D_HID), lambda i: (0, 0)),
        ],
        out_specs=[
            pl.BlockSpec((_BLK, D_HID), lambda i: (i, 0)),
            pl.BlockSpec((_BLK, 1), lambda i: (i, 0)),
        ],
        out_shape=[
            jax.ShapeDtypeStruct((N, D_HID), jnp.float32),
            jax.ShapeDtypeStruct((N, 1), jnp.float32),
        ],
    )(P, r1, b1)


def _out_body(q_ref, dinv_ref, h_ref, wl2_ref, wr2_ref, b2_ref, o_ref):
    aggn = (q_ref[0] + q_ref[1]) * dinv_ref[...]
    o_ref[...] = (jnp.dot(aggn, wl2_ref[...], preferred_element_type=jnp.float32)
                  + jnp.dot(h_ref[...], wr2_ref[...],
                            preferred_element_type=jnp.float32)
                  + b2_ref[...])


def _out_stage(Q, dinv, h, wl2t, wr2t, b2):
    return pl.pallas_call(
        _out_body,
        grid=(N // _BLK,),
        in_specs=[
            pl.BlockSpec((2, _BLK, D_HID), lambda i: (0, i, 0)),
            pl.BlockSpec((_BLK, 1), lambda i: (i, 0)),
            pl.BlockSpec((_BLK, D_HID), lambda i: (i, 0)),
            pl.BlockSpec((D_HID, N_CLASSES), lambda i: (0, 0)),
            pl.BlockSpec((D_HID, N_CLASSES), lambda i: (0, 0)),
            pl.BlockSpec((1, N_CLASSES), lambda i: (0, 0)),
        ],
        out_specs=pl.BlockSpec((_BLK, N_CLASSES), lambda i: (i, 0)),
        out_shape=jax.ShapeDtypeStruct((N, N_CLASSES), jnp.float32),
    )(Q, dinv, h, wl2t, wr2t, b2)



def kernel(x, edge_index, W_l1, b_l1, W_r1, W_l2, b_l2, W_r2):
    src = edge_index[0].astype(jnp.int32)
    dst = edge_index[1].astype(jnp.int32)

    w1ext = jnp.concatenate(
        [W_l1.T, jnp.zeros((D_IN, 32 - D_HID), jnp.float32)], axis=1)
    e16 = jnp.zeros((1, 32), jnp.float32).at[0, D_HID].set(1.0)

    p1ext, r1 = _mm1(x, w1ext, e16, W_r1.T)

    P = _seg32(p1ext, src, dst, jnp.zeros((N, 32), jnp.float32))
    h, dinv = _h_stage(P.reshape(2, N, 32), r1, b_l1.reshape(1, D_HID))

    Q = _seg16(h, src, dst, jnp.zeros((N, D_HID), jnp.float32))
    out = _out_stage(Q.reshape(2, N, D_HID), dinv, h,
                     W_l2.T, W_r2.T, b_l2.reshape(1, N_CLASSES))
    return out

# --- scband reference (transcript-rebuilt; emitter-appended) ---
"""Pipeline reference for scband-node-sage-70368744177918 (READ-ONLY COPY).

The authoritative reference and input builder live on the scoring server;
editing this copy changes nothing except your own understanding.
"""

import jax, jax.numpy as jnp
import numpy as np

N_NODES = 10000
N_EDGES = 320000
D_IN = 128
D_HID = 16
N_CLASSES = 40


def setup_inputs(seed: int = 0) -> dict:
    key = jax.random.key(seed)
    ks = jax.random.split(key, 8)
    x = jax.random.normal(ks[0], (N_NODES, D_IN), dtype=jnp.float32)
    edge_index = jax.random.randint(ks[1], (2, N_EDGES), 0, N_NODES, dtype=jnp.int64)
    # SAGEConv layer 1: in 128 -> 16 (lin_l with bias, lin_r no bias)
    W_l1 = jax.random.normal(ks[2], (D_HID, D_IN), dtype=jnp.float32) * (1.0 / np.sqrt(D_IN))
    b_l1 = jnp.zeros((D_HID,), dtype=jnp.float32)
    W_r1 = jax.random.normal(ks[3], (D_HID, D_IN), dtype=jnp.float32) * (1.0 / np.sqrt(D_IN))
    # SAGEConv layer 2: 16 -> 40
    W_l2 = jax.random.normal(ks[4], (N_CLASSES, D_HID), dtype=jnp.float32) * (1.0 / np.sqrt(D_HID))
    b_l2 = jnp.zeros((N_CLASSES,), dtype=jnp.float32)
    W_r2 = jax.random.normal(ks[5], (N_CLASSES, D_HID), dtype=jnp.float32) * (1.0 / np.sqrt(D_HID))
    return {"x": x, "edge_index": edge_index, "W_l1": W_l1, "b_l1": b_l1, "W_r1": W_r1,
            "W_l2": W_l2, "b_l2": b_l2, "W_r2": W_r2}


def _sage_conv(x, edge_index, W_l, b_l, W_r):
    # PyG SAGEConv with aggr='mean': out = lin_l(mean_{j in N(i)} x_j) + lin_r(x_i)
    src = edge_index[0]
    dst = edge_index[1]
    msgs = jnp.take(x, src, axis=0)                      # gather [E, d]
    agg = jax.ops.segment_sum(msgs, dst, num_segments=x.shape[0])  # scatter-add
    deg = jax.ops.segment_sum(jnp.ones((src.shape[0],), dtype=x.dtype), dst,
                              num_segments=x.shape[0])
    agg = agg / jnp.maximum(deg, 1.0)[:, None]
    return agg @ W_l.T + b_l + x @ W_r.T


def reference(x, edge_index, W_l1, b_l1, W_r1, W_l2, b_l2, W_r2):
    h = _sage_conv(x, edge_index, W_l1, b_l1, W_r1)
    h = jax.nn.relu(h)
    # dropout is identity in eval mode
    out = _sage_conv(h, edge_index, W_l2, b_l2, W_r2)
    return out

if __name__ == "__main__":
    import jax
    _d = setup_inputs()
    print(jax.jit(kernel)(*tuple(_d.values())))

</pallas_src>

<mosaic_0001>
#map = affine_map<(d0, d1) -> (0, 0)>
#map1 = affine_map<(d0, d1) -> (0)>
module attributes {stable_mosaic.version = 14 : i64} {
  func.func @seg_sum(%arg0: i32, %arg1: i32, %arg2: memref<10000x32xf32, #tpu.memory_space<hbm>>, %arg3: memref<320000xi32, #tpu.memory_space<hbm>>, %arg4: memref<320000xi32, #tpu.memory_space<hbm>>, %arg5: memref<10000x32xf32, #tpu.memory_space<hbm>>, %arg6: memref<20000x32xf32, #tpu.memory_space<hbm>>, %arg7: memref<10000x32xf32, #tpu.memory_space<vmem_shared>>, %arg8: memref<80xi32, #tpu.memory_space<vmem>>, %arg9: memref<80xi32, #tpu.memory_space<vmem>>, %arg10: memref<80x32xf32, #tpu.memory_space<vmem>>, %arg11: memref<!tpu.dma_semaphore, #tpu.memory_space<semaphore_mem>>) attributes {dimension_semantics = [#tpu.dimension_semantics<core_parallel>, #tpu.dimension_semantics<subcore_parallel>], iteration_bounds = array<i64: 2, 16>, scalar_prefetch = 0 : i64, scratch_operands = 5 : i64, tpu.core_type = #tpu.core_type<sc_vector_subcore>, window_params = [{transform_indices = #map}, {transform_indices = #map1}, {transform_indices = #map1}, {transform_indices = #map}, {transform_indices = #map}]} {
    %mul3A = arith.constant 16 : i32
    %mul3A_0 = arith.muli %arg0, %mul3A : i32
    %add3A = arith.addi %mul3A_0, %arg1 : i32
    %mul3A_1 = arith.constant 10000 : i32
    %mul3A_2 = arith.muli %add3A, %mul3A_1 : i32
    %eq3A = arith.constant 0 : i32
    %eq3A_3 = arith.cmpi eq, %arg1, %eq3A : i32
    %convert_element_type3A = arith.extui %eq3A_3 : i1 to i32
    %cond3A = arith.constant 0 : i32
    %cond3A_4 = arith.cmpi ne, %convert_element_type3A, %cond3A : i32
    scf.if %cond3A_4 {
      "tpu.region"() ({
        %run_scoped3A = tpu.sem_alloc : memref<!tpu.dma_semaphore, #tpu.memory_space<semaphore_mem>>
        tpu.enqueue_dma source(%arg5 : memref<10000x32xf32, #tpu.memory_space<hbm>>) target(%arg7 : memref<10000x32xf32, #tpu.memory_space<vmem_shared>>) target_semaphore(%run_scoped3A : memref<!tpu.dma_semaphore, #tpu.memory_space<semaphore_mem>>)
        tpu.wait_dma2 semaphore(%run_scoped3A : memref<!tpu.dma_semaphore, #tpu.memory_space<semaphore_mem>>) src(%arg5 : memref<10000x32xf32, #tpu.memory_space<hbm>>) dst(%arg7 : memref<10000x32xf32, #tpu.memory_space<vmem_shared>>)
        tpu.yield
      }) : () -> ()
    } else {
    }
    %barrier3A = arith.constant 0 : index
    tpu.barrier barrier_id(%barrier3A)
    %scan3A = arith.constant 0 : i32
    %scan3A_5 = arith.constant 0 : i32
    %scan3A_6 = arith.constant 125 : i32
    %scan3A_7 = arith.addi %scan3A_5, %scan3A_6 : i32
    %scan3A_8 = arith.constant 1 : i32
    scf.for %scan3A_20 = %scan3A_5 to %scan3A_7 step %scan3A_8  : i32 {
      %mul3A_21 = arith.constant 80 : i32
      %mul3A_22 = arith.muli %scan3A_20, %mul3A_21 : i32
      %add3A_23 = arith.addi %mul3A_2, %mul3A_22 : i32
      "tpu.region"() ({
        %run_scoped3A = tpu.sem_alloc : memref<!tpu.dma_semaphore, #tpu.memory_space<semaphore_mem>>
        %dma_start3A_28 = tpu.memref_slice %arg3[%add3A_23] : memref<320000xi32, #tpu.memory_space<hbm>> -> memref<80xi32, #tpu.memory_space<hbm>>
        %dma_start3A_29 = tpu.memref_slice %arg3[%add3A_23] : memref<320000xi32, #tpu.memory_space<hbm>> -> memref<80xi32, #tpu.memory_space<hbm>>
        tpu.enqueue_dma source(%dma_start3A_29 : memref<80xi32, #tpu.memory_space<hbm>>) target(%arg8 : memref<80xi32, #tpu.memory_space<vmem>>) target_semaphore(%run_scoped3A : memref<!tpu.dma_semaphore, #tpu.memory_space<semaphore_mem>>)
        %dma_wait3A_30 = tpu.memref_slice %arg3[%add3A_23] : memref<320000xi32, #tpu.memory_space<hbm>> -> memref<80xi32, #tpu.memory_space<hbm>>
        %dma_wait3A_31 = tpu.memref_slice %arg3[%add3A_23] : memref<320000xi32, #tpu.memory_space<hbm>> -> memref<80xi32, #tpu.memory_space<hbm>>
        tpu.wait_dma2 semaphore(%run_scoped3A : memref<!tpu.dma_semaphore, #tpu.memory_space<semaphore_mem>>) src(%dma_wait3A_31 : memref<80xi32, #tpu.memory_space<hbm>>) dst(%arg8 : memref<80xi32, #tpu.memory_space<vmem>>)
        tpu.yield
      }) : () -> ()
      "tpu.region"() ({
        %run_scoped3A = tpu.sem_alloc : memref<!tpu.dma_semaphore, #tpu.memory_space<semaphore_mem>>
        %dma_start3A_28 = tpu.memref_slice %arg4[%add3A_23] : memref<320000xi32, #tpu.memory_space<hbm>> -> memref<80xi32, #tpu.memory_space<hbm>>
        %dma_start3A_29 = tpu.memref_slice %arg4[%add3A_23] : memref<320000xi32, #tpu.memory_space<hbm>> -> memref<80xi32, #tpu.memory_space<hbm>>
        tpu.enqueue_dma source(%dma_start3A_29 : memref<80xi32, #tpu.memory_space<hbm>>) target(%arg9 : memref<80xi32, #tpu.memory_space<vmem>>) target_semaphore(%run_scoped3A : memref<!tpu.dma_semaphore, #tpu.memory_space<semaphore_mem>>)
        %dma_wait3A_30 = tpu.memref_slice %arg4[%add3A_23] : memref<320000xi32, #tpu.memory_space<hbm>> -> memref<80xi32, #tpu.memory_space<hbm>>
        %dma_wait3A_31 = tpu.memref_slice %arg4[%add3A_23] : memref<320000xi32, #tpu.memory_space<hbm>> -> memref<80xi32, #tpu.memory_space<hbm>>
        tpu.wait_dma2 semaphore(%run_scoped3A : memref<!tpu.dma_semaphore, #tpu.memory_space<semaphore_mem>>) src(%dma_wait3A_31 : memref<80xi32, #tpu.memory_space<hbm>>) dst(%arg9 : memref<80xi32, #tpu.memory_space<vmem>>)
        tpu.yield
      }) : () -> ()
      %dma_start3A = arith.constant 0 : i32
      %dma_start3A_24 = arith.constant 0 : i32
      %dma_start3A_25 = tpu.memref_slice %arg2[%dma_start3A, %dma_start3A_24] : memref<10000x32xf32, #tpu.memory_space<hbm>> -> memref<10000x32xf32, #tpu.memory_space<hbm>>
      tpu.enqueue_indirect_dma source(%dma_start3A_25 : memref<10000x32xf32, #tpu.memory_space<hbm>>) target(%arg10 : memref<80x32xf32, #tpu.memory_space<vmem>>) offsets(%arg8 : memref<80xi32, #tpu.memory_space<vmem>>) semaphore(%arg11 : memref<!tpu.dma_semaphore, #tpu.memory_space<semaphore_mem>>)
      %dma_wait3A = arith.constant 0 : i32
      %dma_wait3A_26 = arith.constant 0 : i32
      %dma_wait3A_27 = tpu.memref_slice %arg2[%dma_wait3A, %dma_wait3A_26] : memref<10000x32xf32, #tpu.memory_space<hbm>> -> memref<10000x32xf32, #tpu.memory_space<hbm>>
      tpu.wait_indirect_dma semaphore(%arg11 : memref<!tpu.dma_semaphore, #tpu.memory_space<semaphore_mem>>) src(%dma_wait3A_27 : memref<10000x32xf32, #tpu.memory_space<hbm>>) dst(%arg10 : memref<80x32xf32, #tpu.memory_space<vmem>>)
      "tpu.region"() ({
        %run_scoped3A = tpu.sem_alloc : memref<!tpu.dma_semaphore, #tpu.memory_space<semaphore_mem>>
        %dma_start3A_28 = arith.constant 0 : i32
        %dma_start3A_29 = arith.constant 0 : i32
        %dma_start3A_30 = tpu.memref_slice %arg7[%dma_start3A_28, %dma_start3A_29] : memref<10000x32xf32, #tpu.memory_space<vmem_shared>> -> memref<10000x32xf32, #tpu.memory_space<vmem_shared>>
        tpu.enqueue_indirect_dma source(%arg10 : memref<80x32xf32, #tpu.memory_space<vmem>>) target(%dma_start3A_30 : memref<10000x32xf32, #tpu.memory_space<vmem_shared>>) offsets(%arg9 : memref<80xi32, #tpu.memory_space<vmem>>) semaphore(%run_scoped3A : memref<!tpu.dma_semaphore, #tpu.memory_space<semaphore_mem>>) {add = true}
        %dma_wait3A_31 = arith.constant 0 : i32
        %dma_wait3A_32 = arith.constant 0 : i32
        %dma_wait3A_33 = tpu.memref_slice %arg7[%dma_wait3A_31, %dma_wait3A_32] : memref<10000x32xf32, #tpu.memory_space<vmem_shared>> -> memref<10000x32xf32, #tpu.memory_space<vmem_shared>>
        tpu.wait_indirect_dma semaphore(%run_scoped3A : memref<!tpu.dma_semaphore, #tpu.memory_space<semaphore_mem>>) src(%arg10 : memref<80x32xf32, #tpu.memory_space<vmem>>) dst(%dma_wait3A_33 : memref<10000x32xf32, #tpu.memory_space<vmem_shared>>)
        tpu.yield
      }) : () -> ()
    }
    %scan3A_9 = arith.constant 125 : i32
    %barrier3A_10 = arith.constant 0 : index
    tpu.barrier barrier_id(%barrier3A_10)
    %lt3A = arith.constant 15 : i32
    %lt3A_11 = arith.cmpi slt, %arg1, %lt3A : i32
    %convert_element_type3A_12 = arith.extui %lt3A_11 : i1 to i32
    %cond3A_13 = arith.constant 0 : i32
    %cond3A_14 = arith.cmpi ne, %convert_element_type3A_12, %cond3A_13 : i32
    scf.if %cond3A_14 {
      %mul3A_20 = arith.constant 624 : i32
      %mul3A_21 = arith.muli %arg1, %mul3A_20 : i32
      %mul3A_22 = arith.constant 10000 : i32
      %mul3A_23 = arith.muli %arg0, %mul3A_22 : i32
      %mul3A_24 = arith.constant 624 : i32
      %mul3A_25 = arith.muli %arg1, %mul3A_24 : i32
      %add3A_26 = arith.addi %mul3A_23, %mul3A_25 : i32
      "tpu.region"() ({
        %run_scoped3A = tpu.sem_alloc : memref<!tpu.dma_semaphore, #tpu.memory_space<semaphore_mem>>
        %dma_start3A = arith.constant 0 : i32
        %dma_start3A_27 = tpu.memref_slice %arg6[%add3A_26, %dma_start3A] : memref<20000x32xf32, #tpu.memory_space<hbm>> -> memref<624x32xf32, #tpu.memory_space<hbm>>
        %dma_start3A_28 = arith.constant 0 : i32
        %dma_start3A_29 = tpu.memref_slice %arg7[%mul3A_21, %dma_start3A_28] : memref<10000x32xf32, #tpu.memory_space<vmem_shared>> -> memref<624x32xf32, #tpu.memory_space<vmem_shared>>
        tpu.enqueue_dma source(%dma_start3A_29 : memref<624x32xf32, #tpu.memory_space<vmem_shared>>) target(%dma_start3A_27 : memref<624x32xf32, #tpu.memory_space<hbm>>) target_semaphore(%run_scoped3A : memref<!tpu.dma_semaphore, #tpu.memory_space<semaphore_mem>>)
        %dma_wait3A = arith.constant 0 : i32
        %dma_wait3A_30 = tpu.memref_slice %arg6[%add3A_26, %dma_wait3A] : memref<20000x32xf32, #tpu.memory_space<hbm>> -> memref<624x32xf32, #tpu.memory_space<hbm>>
        %dma_wait3A_31 = arith.constant 0 : i32
        %dma_wait3A_32 = tpu.memref_slice %arg7[%mul3A_21, %dma_wait3A_31] : memref<10000x32xf32, #tpu.memory_space<vmem_shared>> -> memref<624x32xf32, #tpu.memory_space<vmem_shared>>
        tpu.wait_dma2 semaphore(%run_scoped3A : memref<!tpu.dma_semaphore, #tpu.memory_space<semaphore_mem>>) src(%dma_wait3A_32 : memref<624x32xf32, #tpu.memory_space<vmem_shared>>) dst(%dma_wait3A_30 : memref<624x32xf32, #tpu.memory_space<hbm>>)
        tpu.yield
      }) : () -> ()
    } else {
    }
    %eq3A_15 = arith.constant 15 : i32
    %eq3A_16 = arith.cmpi eq, %arg1, %eq3A_15 : i32
    %convert_element_type3A_17 = arith.extui %eq3A_16 : i1 to i32
    %cond3A_18 = arith.constant 0 : i32
    %cond3A_19 = arith.cmpi ne, %convert_element_type3A_17, %cond3A_18 : i32
    scf.if %cond3A_19 {
      %mul3A_20 = arith.constant 10000 : i32
      %mul3A_21 = arith.muli %arg0, %mul3A_20 : i32
      %add3A_22 = arith.constant 9360 : i32
      %add3A_23 = arith.addi %mul3A_21, %add3A_22 : i32
      "tpu.region"() ({
        %run_scoped3A = tpu.sem_alloc : memref<!tpu.dma_semaphore, #tpu.memory_space<semaphore_mem>>
        %dma_start3A = arith.constant 0 : i32
        %dma_start3A_24 = tpu.memref_slice %arg6[%add3A_23, %dma_start3A] : memref<20000x32xf32, #tpu.memory_space<hbm>> -> memref<640x32xf32, #tpu.memory_space<hbm>>
        %dma_start3A_25 = arith.constant 9360 : i32
        %dma_start3A_26 = arith.constant 0 : i32
        %dma_start3A_27 = tpu.memref_slice %arg7[%dma_start3A_25, %dma_start3A_26] : memref<10000x32xf32, #tpu.memory_space<vmem_shared>> -> memref<640x32xf32, #tpu.memory_space<vmem_shared>>
        tpu.enqueue_dma source(%dma_start3A_27 : memref<640x32xf32, #tpu.memory_space<vmem_shared>>) target(%dma_start3A_24 : memref<640x32xf32, #tpu.memory_space<hbm>>) target_semaphore(%run_scoped3A : memref<!tpu.dma_semaphore, #tpu.memory_space<semaphore_mem>>)
        %dma_wait3A = arith.constant 0 : i32
        %dma_wait3A_28 = tpu.memref_slice %arg6[%add3A_23, %dma_wait3A] : memref<20000x32xf32, #tpu.memory_space<hbm>> -> memref<640x32xf32, #tpu.memory_space<hbm>>
        %dma_wait3A_29 = arith.constant 9360 : i32
        %dma_wait3A_30 = arith.constant 0 : i32
        %dma_wait3A_31 = tpu.memref_slice %arg7[%dma_wait3A_29, %dma_wait3A_30] : memref<10000x32xf32, #tpu.memory_space<vmem_shared>> -> memref<640x32xf32, #tpu.memory_space<vmem_shared>>
        tpu.wait_dma2 semaphore(%run_scoped3A : memref<!tpu.dma_semaphore, #tpu.memory_space<semaphore_mem>>) src(%dma_wait3A_31 : memref<640x32xf32, #tpu.memory_space<vmem_shared>>) dst(%dma_wait3A_28 : memref<640x32xf32, #tpu.memory_space<hbm>>)
        tpu.yield
      }) : () -> ()
    } else {
    }
    return
  }
}

#map = affine_map<(d0, d1) -> (0, 0)>
#map1 = affine_map<(d0, d1) -> (0)>
module attributes {stable_mosaic.version = 14 : i64} {
  func.func @seg_sum(%arg0: i32, %arg1: i32, %arg2: memref<10000x16xf32, #tpu.memory_space<hbm>>, %arg3: memref<320000xi32, #tpu.memory_space<hbm>>, %arg4: memref<320000xi32, #tpu.memory_space<hbm>>, %arg5: memref<10000x16xf32, #tpu.memory_space<hbm>>, %arg6: memref<20000x16xf32, #tpu.memory_space<hbm>>, %arg7: memref<10000x16xf32, #tpu.memory_space<vmem_shared>>, %arg8: memref<80xi32, #tpu.memory_space<vmem>>, %arg9: memref<80xi32, #tpu.memory_space<vmem>>, %arg10: memref<80x16xf32, #tpu.memory_space<vmem>>, %arg11: memref<!tpu.dma_semaphore, #tpu.memory_space<semaphore_mem>>) attributes {dimension_semantics = [#tpu.dimension_semantics<core_parallel>, #tpu.dimension_semantics<subcore_parallel>], iteration_bounds = array<i64: 2, 16>, scalar_prefetch = 0 : i64, scratch_operands = 5 : i64, tpu.core_type = #tpu.core_type<sc_vector_subcore>, window_params = [{transform_indices = #map}, {transform_indices = #map1}, {transform_indices = #map1}, {transform_indices = #map}, {transform_indices = #map}]} {
    %mul3A = arith.constant 16 : i32
    %mul3A_0 = arith.muli %arg0, %mul3A : i32
    %add3A = arith.addi %mul3A_0, %arg1 : i32
    %mul3A_1 = arith.constant 10000 : i32
    %mul3A_2 = arith.muli %add3A, %mul3A_1 : i32
    %eq3A = arith.constant 0 : i32
    %eq3A_3 = arith.cmpi eq, %arg1, %eq3A : i32
    %convert_element_type3A = arith.extui %eq3A_3 : i1 to i32
    %cond3A = arith.constant 0 : i32
    %cond3A_4 = arith.cmpi ne, %convert_element_type3A, %cond3A : i32
    scf.if %cond3A_4 {
      "tpu.region"() ({
        %run_scoped3A = tpu.sem_alloc : memref<!tpu.dma_semaphore, #tpu.memory_space<semaphore_mem>>
        tpu.enqueue_dma source(%arg5 : memref<10000x16xf32, #tpu.memory_space<hbm>>) target(%arg7 : memref<10000x16xf32, #tpu.memory_space<vmem_shared>>) target_semaphore(%run_scoped3A : memref<!tpu.dma_semaphore, #tpu.memory_space<semaphore_mem>>)
        tpu.wait_dma2 semaphore(%run_scoped3A : memref<!tpu.dma_semaphore, #tpu.memory_space<semaphore_mem>>) src(%arg5 : memref<10000x16xf32, #tpu.memory_space<hbm>>) dst(%arg7 : memref<10000x16xf32, #tpu.memory_space<vmem_shared>>)
        tpu.yield
      }) : () -> ()
    } else {
    }
    %barrier3A = arith.constant 0 : index
    tpu.barrier barrier_id(%barrier3A)
    %scan3A = arith.constant 0 : i32
    %scan3A_5 = arith.constant 0 : i32
    %scan3A_6 = arith.constant 125 : i32
    %scan3A_7 = arith.addi %scan3A_5, %scan3A_6 : i32
    %scan3A_8 = arith.constant 1 : i32
    scf.for %scan3A_20 = %scan3A_5 to %scan3A_7 step %scan3A_8  : i32 {
      %mul3A_21 = arith.constant 80 : i32
      %mul3A_22 = arith.muli %scan3A_20, %mul3A_21 : i32
      %add3A_23 = arith.addi %mul3A_2, %mul3A_22 : i32
      "tpu.region"() ({
        %run_scoped3A = tpu.sem_alloc : memref<!tpu.dma_semaphore, #tpu.memory_space<semaphore_mem>>
        %dma_start3A_28 = tpu.memref_slice %arg3[%add3A_23] : memref<320000xi32, #tpu.memory_space<hbm>> -> memref<80xi32, #tpu.memory_space<hbm>>
        %dma_start3A_29 = tpu.memref_slice %arg3[%add3A_23] : memref<320000xi32, #tpu.memory_space<hbm>> -> memref<80xi32, #tpu.memory_space<hbm>>
        tpu.enqueue_dma source(%dma_start3A_29 : memref<80xi32, #tpu.memory_space<hbm>>) target(%arg8 : memref<80xi32, #tpu.memory_space<vmem>>) target_semaphore(%run_scoped3A : memref<!tpu.dma_semaphore, #tpu.memory_space<semaphore_mem>>)
        %dma_wait3A_30 = tpu.memref_slice %arg3[%add3A_23] : memref<320000xi32, #tpu.memory_space<hbm>> -> memref<80xi32, #tpu.memory_space<hbm>>
        %dma_wait3A_31 = tpu.memref_slice %arg3[%add3A_23] : memref<320000xi32, #tpu.memory_space<hbm>> -> memref<80xi32, #tpu.memory_space<hbm>>
        tpu.wait_dma2 semaphore(%run_scoped3A : memref<!tpu.dma_semaphore, #tpu.memory_space<semaphore_mem>>) src(%dma_wait3A_31 : memref<80xi32, #tpu.memory_space<hbm>>) dst(%arg8 : memref<80xi32, #tpu.memory_space<vmem>>)
        tpu.yield
      }) : () -> ()
      "tpu.region"() ({
        %run_scoped3A = tpu.sem_alloc : memref<!tpu.dma_semaphore, #tpu.memory_space<semaphore_mem>>
        %dma_start3A_28 = tpu.memref_slice %arg4[%add3A_23] : memref<320000xi32, #tpu.memory_space<hbm>> -> memref<80xi32, #tpu.memory_space<hbm>>
        %dma_start3A_29 = tpu.memref_slice %arg4[%add3A_23] : memref<320000xi32, #tpu.memory_space<hbm>> -> memref<80xi32, #tpu.memory_space<hbm>>
        tpu.enqueue_dma source(%dma_start3A_29 : memref<80xi32, #tpu.memory_space<hbm>>) target(%arg9 : memref<80xi32, #tpu.memory_space<vmem>>) target_semaphore(%run_scoped3A : memref<!tpu.dma_semaphore, #tpu.memory_space<semaphore_mem>>)
        %dma_wait3A_30 = tpu.memref_slice %arg4[%add3A_23] : memref<320000xi32, #tpu.memory_space<hbm>> -> memref<80xi32, #tpu.memory_space<hbm>>
        %dma_wait3A_31 = tpu.memref_slice %arg4[%add3A_23] : memref<320000xi32, #tpu.memory_space<hbm>> -> memref<80xi32, #tpu.memory_space<hbm>>
        tpu.wait_dma2 semaphore(%run_scoped3A : memref<!tpu.dma_semaphore, #tpu.memory_space<semaphore_mem>>) src(%dma_wait3A_31 : memref<80xi32, #tpu.memory_space<hbm>>) dst(%arg9 : memref<80xi32, #tpu.memory_space<vmem>>)
        tpu.yield
      }) : () -> ()
      %dma_start3A = arith.constant 0 : i32
      %dma_start3A_24 = arith.constant 0 : i32
      %dma_start3A_25 = tpu.memref_slice %arg2[%dma_start3A, %dma_start3A_24] : memref<10000x16xf32, #tpu.memory_space<hbm>> -> memref<10000x16xf32, #tpu.memory_space<hbm>>
      tpu.enqueue_indirect_dma source(%dma_start3A_25 : memref<10000x16xf32, #tpu.memory_space<hbm>>) target(%arg10 : memref<80x16xf32, #tpu.memory_space<vmem>>) offsets(%arg8 : memref<80xi32, #tpu.memory_space<vmem>>) semaphore(%arg11 : memref<!tpu.dma_semaphore, #tpu.memory_space<semaphore_mem>>)
      %dma_wait3A = arith.constant 0 : i32
      %dma_wait3A_26 = arith.constant 0 : i32
      %dma_wait3A_27 = tpu.memref_slice %arg2[%dma_wait3A, %dma_wait3A_26] : memref<10000x16xf32, #tpu.memory_space<hbm>> -> memref<10000x16xf32, #tpu.memory_space<hbm>>
      tpu.wait_indirect_dma semaphore(%arg11 : memref<!tpu.dma_semaphore, #tpu.memory_space<semaphore_mem>>) src(%dma_wait3A_27 : memref<10000x16xf32, #tpu.memory_space<hbm>>) dst(%arg10 : memref<80x16xf32, #tpu.memory_space<vmem>>)
      "tpu.region"() ({
        %run_scoped3A = tpu.sem_alloc : memref<!tpu.dma_semaphore, #tpu.memory_space<semaphore_mem>>
        %dma_start3A_28 = arith.constant 0 : i32
        %dma_start3A_29 = arith.constant 0 : i32
        %dma_start3A_30 = tpu.memref_slice %arg7[%dma_start3A_28, %dma_start3A_29] : memref<10000x16xf32, #tpu.memory_space<vmem_shared>> -> memref<10000x16xf32, #tpu.memory_space<vmem_shared>>
        tpu.enqueue_indirect_dma source(%arg10 : memref<80x16xf32, #tpu.memory_space<vmem>>) target(%dma_start3A_30 : memref<10000x16xf32, #tpu.memory_space<vmem_shared>>) offsets(%arg9 : memref<80xi32, #tpu.memory_space<vmem>>) semaphore(%run_scoped3A : memref<!tpu.dma_semaphore, #tpu.memory_space<semaphore_mem>>) {add = true}
        %dma_wait3A_31 = arith.constant 0 : i32
        %dma_wait3A_32 = arith.constant 0 : i32
        %dma_wait3A_33 = tpu.memref_slice %arg7[%dma_wait3A_31, %dma_wait3A_32] : memref<10000x16xf32, #tpu.memory_space<vmem_shared>> -> memref<10000x16xf32, #tpu.memory_space<vmem_shared>>
        tpu.wait_indirect_dma semaphore(%run_scoped3A : memref<!tpu.dma_semaphore, #tpu.memory_space<semaphore_mem>>) src(%arg10 : memref<80x16xf32, #tpu.memory_space<vmem>>) dst(%dma_wait3A_33 : memref<10000x16xf32, #tpu.memory_space<vmem_shared>>)
        tpu.yield
      }) : () -> ()
    }
    %scan3A_9 = arith.constant 125 : i32
    %barrier3A_10 = arith.constant 0 : index
    tpu.barrier barrier_id(%barrier3A_10)
    %lt3A = arith.constant 15 : i32
    %lt3A_11 = arith.cmpi slt, %arg1, %lt3A : i32
    %convert_element_type3A_12 = arith.extui %lt3A_11 : i1 to i32
    %cond3A_13 = arith.constant 0 : i32
    %cond3A_14 = arith.cmpi ne, %convert_element_type3A_12, %cond3A_13 : i32
    scf.if %cond3A_14 {
      %mul3A_20 = arith.constant 624 : i32
      %mul3A_21 = arith.muli %arg1, %mul3A_20 : i32
      %mul3A_22 = arith.constant 10000 : i32
      %mul3A_23 = arith.muli %arg0, %mul3A_22 : i32
      %mul3A_24 = arith.constant 624 : i32
      %mul3A_25 = arith.muli %arg1, %mul3A_24 : i32
      %add3A_26 = arith.addi %mul3A_23, %mul3A_25 : i32
      "tpu.region"() ({
        %run_scoped3A = tpu.sem_alloc : memref<!tpu.dma_semaphore, #tpu.memory_space<semaphore_mem>>
        %dma_start3A = arith.constant 0 : i32
        %dma_start3A_27 = tpu.memref_slice %arg6[%add3A_26, %dma_start3A] : memref<20000x16xf32, #tpu.memory_space<hbm>> -> memref<624x16xf32, #tpu.memory_space<hbm>>
        %dma_start3A_28 = arith.constant 0 : i32
        %dma_start3A_29 = tpu.memref_slice %arg7[%mul3A_21, %dma_start3A_28] : memref<10000x16xf32, #tpu.memory_space<vmem_shared>> -> memref<624x16xf32, #tpu.memory_space<vmem_shared>>
        tpu.enqueue_dma source(%dma_start3A_29 : memref<624x16xf32, #tpu.memory_space<vmem_shared>>) target(%dma_start3A_27 : memref<624x16xf32, #tpu.memory_space<hbm>>) target_semaphore(%run_scoped3A : memref<!tpu.dma_semaphore, #tpu.memory_space<semaphore_mem>>)
        %dma_wait3A = arith.constant 0 : i32
        %dma_wait3A_30 = tpu.memref_slice %arg6[%add3A_26, %dma_wait3A] : memref<20000x16xf32, #tpu.memory_space<hbm>> -> memref<624x16xf32, #tpu.memory_space<hbm>>
        %dma_wait3A_31 = arith.constant 0 : i32
        %dma_wait3A_32 = tpu.memref_slice %arg7[%mul3A_21, %dma_wait3A_31] : memref<10000x16xf32, #tpu.memory_space<vmem_shared>> -> memref<624x16xf32, #tpu.memory_space<vmem_shared>>
        tpu.wait_dma2 semaphore(%run_scoped3A : memref<!tpu.dma_semaphore, #tpu.memory_space<semaphore_mem>>) src(%dma_wait3A_32 : memref<624x16xf32, #tpu.memory_space<vmem_shared>>) dst(%dma_wait3A_30 : memref<624x16xf32, #tpu.memory_space<hbm>>)
        tpu.yield
      }) : () -> ()
    } else {
    }
    %eq3A_15 = arith.constant 15 : i32
    %eq3A_16 = arith.cmpi eq, %arg1, %eq3A_15 : i32
    %convert_element_type3A_17 = arith.extui %eq3A_16 : i1 to i32
    %cond3A_18 = arith.constant 0 : i32
    %cond3A_19 = arith.cmpi ne, %convert_element_type3A_17, %cond3A_18 : i32
    scf.if %cond3A_19 {
      %mul3A_20 = arith.constant 10000 : i32
      %mul3A_21 = arith.muli %arg0, %mul3A_20 : i32
      %add3A_22 = arith.constant 9360 : i32
      %add3A_23 = arith.addi %mul3A_21, %add3A_22 : i32
      "tpu.region"() ({
        %run_scoped3A = tpu.sem_alloc : memref<!tpu.dma_semaphore, #tpu.memory_space<semaphore_mem>>
        %dma_start3A = arith.constant 0 : i32
        %dma_start3A_24 = tpu.memref_slice %arg6[%add3A_23, %dma_start3A] : memref<20000x16xf32, #tpu.memory_space<hbm>> -> memref<640x16xf32, #tpu.memory_space<hbm>>
        %dma_start3A_25 = arith.constant 9360 : i32
        %dma_start3A_26 = arith.constant 0 : i32
        %dma_start3A_27 = tpu.memref_slice %arg7[%dma_start3A_25, %dma_start3A_26] : memref<10000x16xf32, #tpu.memory_space<vmem_shared>> -> memref<640x16xf32, #tpu.memory_space<vmem_shared>>
        tpu.enqueue_dma source(%dma_start3A_27 : memref<640x16xf32, #tpu.memory_space<vmem_shared>>) target(%dma_start3A_24 : memref<640x16xf32, #tpu.memory_space<hbm>>) target_semaphore(%run_scoped3A : memref<!tpu.dma_semaphore, #tpu.memory_space<semaphore_mem>>)
        %dma_wait3A = arith.constant 0 : i32
        %dma_wait3A_28 = tpu.memref_slice %arg6[%add3A_23, %dma_wait3A] : memref<20000x16xf32, #tpu.memory_space<hbm>> -> memref<640x16xf32, #tpu.memory_space<hbm>>
        %dma_wait3A_29 = arith.constant 9360 : i32
        %dma_wait3A_30 = arith.constant 0 : i32
        %dma_wait3A_31 = tpu.memref_slice %arg7[%dma_wait3A_29, %dma_wait3A_30] : memref<10000x16xf32, #tpu.memory_space<vmem_shared>> -> memref<640x16xf32, #tpu.memory_space<vmem_shared>>
        tpu.wait_dma2 semaphore(%run_scoped3A : memref<!tpu.dma_semaphore, #tpu.memory_space<semaphore_mem>>) src(%dma_wait3A_31 : memref<640x16xf32, #tpu.memory_space<vmem_shared>>) dst(%dma_wait3A_28 : memref<640x16xf32, #tpu.memory_space<hbm>>)
        tpu.yield
      }) : () -> ()
    } else {
    }
    return
  }
}

module attributes {stable_mosaic.version = 14 : i64} {
  func.func @_mm1_body(%arg0: i32, %arg1: memref<2000x128xf32, #tpu.memory_space<vmem>>, %arg2: memref<128x32xf32, #tpu.memory_space<vmem>>, %arg3: memref<1x32xf32, #tpu.memory_space<vmem>>, %arg4: memref<128x16xf32, #tpu.memory_space<vmem>>, %arg5: memref<2000x32xf32, #tpu.memory_space<vmem>>, %arg6: memref<2000x16xf32, #tpu.memory_space<vmem>>) attributes {dimension_semantics = [#tpu.dimension_semantics<arbitrary>], iteration_bounds = array<i64: 5>, scalar_prefetch = 0 : i64, scratch_operands = 0 : i64, tpu.core_type = #tpu.core_type<tc>, window_params = [{transform_indices = @transform_0, window_bounds = array<i64: 2000, 128>}, {pipeline_mode = #tpu.pipeline_mode<synchronous>, transform_indices = @transform_1, window_bounds = array<i64: 128, 32>}, {pipeline_mode = #tpu.pipeline_mode<synchronous>, transform_indices = @transform_2, window_bounds = array<i64: 1, 32>}, {pipeline_mode = #tpu.pipeline_mode<synchronous>, transform_indices = @transform_3, window_bounds = array<i64: 128, 16>}, {transform_indices = @transform_4, window_bounds = array<i64: 2000, 32>}, {transform_indices = @transform_5, window_bounds = array<i64: 2000, 16>}]} {
    %get3A = arith.constant 0 : index
    %get3A_0 = arith.constant 0 : index
    %get3A_1 = vector.load %arg1[%get3A, %get3A_0] : memref<2000x128xf32, #tpu.memory_space<vmem>>, vector<2000x128xf32>
    %get3A_2 = arith.constant 0 : index
    %get3A_3 = arith.constant 0 : index
    %get3A_4 = vector.load %arg2[%get3A_2, %get3A_3] : memref<128x32xf32, #tpu.memory_space<vmem>>, vector<128x32xf32>
    %dot_general3A = arith.constant dense<0.000000e+00> : vector<2000x32xf32>
    %dot_general3A_5 = tpu.matmul %get3A_1, %get3A_4, %dot_general3A {dimension_numbers = #tpu.dot_dimension_numbers<[1], [0], [0], [1], [0, 0, 1, 1], [], []>, transpose_lhs_hint = false} : vector<2000x128xf32>, vector<128x32xf32>, vector<2000x32xf32> -> vector<2000x32xf32>
    %get3A_6 = arith.constant 0 : index
    %get3A_7 = arith.constant 0 : index
    %get3A_8 = vector.load %arg3[%get3A_6, %get3A_7] : memref<1x32xf32, #tpu.memory_space<vmem>>, vector<1x32xf32>
    %add3A = vector.broadcast %get3A_8 : vector<1x32xf32> to vector<2000x32xf32>
    %add3A_9 = arith.addf %dot_general3A_5, %add3A : vector<2000x32xf32>
    %swap3A = arith.constant 0 : index
    %swap3A_10 = arith.constant 0 : index
    %swap3A_11 = vector.load %arg5[%swap3A, %swap3A_10] : memref<2000x32xf32, #tpu.memory_space<vmem>>, vector<2000x32xf32>
    tpu.vector_store %arg5[%swap3A, %swap3A_10], %add3A_9 {strides = array<i32>} : memref<2000x32xf32, #tpu.memory_space<vmem>>, vector<2000x32xf32>,
    %get3A_12 = arith.constant 0 : index
    %get3A_13 = arith.constant 0 : index
    %get3A_14 = vector.load %arg4[%get3A_12, %get3A_13] : memref<128x16xf32, #tpu.memory_space<vmem>>, vector<128x16xf32>
    %dot_general3A_15 = arith.constant dense<0.000000e+00> : vector<2000x16xf32>
    %dot_general3A_16 = tpu.matmul %get3A_1, %get3A_14, %dot_general3A_15 {dimension_numbers = #tpu.dot_dimension_numbers<[1], [0], [0], [1], [0, 0, 1, 1], [], []>, transpose_lhs_hint = false} : vector<2000x128xf32>, vector<128x16xf32>, vector<2000x16xf32> -> vector<2000x16xf32>
    %swap3A_17 = arith.constant 0 : index
    %swap3A_18 = arith.constant 0 : index
    %swap3A_19 = vector.load %arg6[%swap3A_17, %swap3A_18] : memref<2000x16xf32, #tpu.memory_space<vmem>>, vector<2000x16xf32>
    tpu.vector_store %arg6[%swap3A_17, %swap3A_18], %dot_general3A_16 {strides = array<i32>} : memref<2000x16xf32, #tpu.memory_space<vmem>>, vector<2000x16xf32>,
    return
  }
  func.func @transform_0(%arg0: i32) -> (i32, i32) {
    %c0_i32 = arith.constant 0 : i32
    %c0_i32_0 = arith.constant 0 : i32
    return %arg0, %c0_i32 : i32, i32
  }
  func.func @transform_1(%arg0: i32) -> (i32, i32) {
    %c0_i32 = arith.constant 0 : i32
    %c0_i32_0 = arith.constant 0 : i32
    %c0_i32_1 = arith.constant 0 : i32
    return %c0_i32, %c0_i32_0 : i32, i32
  }
  func.func @transform_2(%arg0: i32) -> (i32, i32) {
    %c0_i32 = arith.constant 0 : i32
    %c0_i32_0 = arith.constant 0 : i32
    %c0_i32_1 = arith.constant 0 : i32
    return %c0_i32, %c0_i32_0 : i32, i32
  }
  func.func @transform_3(%arg0: i32) -> (i32, i32) {
    %c0_i32 = arith.constant 0 : i32
    %c0_i32_0 = arith.constant 0 : i32
    %c0_i32_1 = arith.constant 0 : i32
    return %c0_i32, %c0_i32_0 : i32, i32
  }
  func.func @transform_4(%arg0: i32) -> (i32, i32) {
    %c0_i32 = arith.constant 0 : i32
    %c0_i32_0 = arith.constant 0 : i32
    return %arg0, %c0_i32 : i32, i32
  }
  func.func @transform_5(%arg0: i32) -> (i32, i32) {
    %c0_i32 = arith.constant 0 : i32
    %c0_i32_0 = arith.constant 0 : i32
    return %arg0, %c0_i32 : i32, i32
  }
}

module attributes {stable_mosaic.version = 14 : i64} {
  func.func @_h_body(%arg0: i32, %arg1: memref<2x2000x32xf32, #tpu.memory_space<vmem>>, %arg2: memref<2000x16xf32, #tpu.memory_space<vmem>>, %arg3: memref<1x16xf32, #tpu.memory_space<vmem>>, %arg4: memref<2000x16xf32, #tpu.memory_space<vmem>>, %arg5: memref<2000x1xf32, #tpu.memory_space<vmem>>) attributes {dimension_semantics = [#tpu.dimension_semantics<arbitrary>], iteration_bounds = array<i64: 5>, scalar_prefetch = 0 : i64, scratch_operands = 0 : i64, tpu.core_type = #tpu.core_type<tc>, window_params = [{transform_indices = @transform_0, window_bounds = array<i64: 2, 2000, 32>}, {transform_indices = @transform_1, window_bounds = array<i64: 2000, 16>}, {pipeline_mode = #tpu.pipeline_mode<synchronous>, transform_indices = @transform_2, window_bounds = array<i64: 1, 16>}, {transform_indices = @transform_3, window_bounds = array<i64: 2000, 16>}, {transform_indices = @transform_4, window_bounds = array<i64: 2000, 1>}]} {
    %get3A = arith.constant 0 : index
    %get3A_0 = arith.constant 0 : index
    %get3A_1 = arith.constant 0 : index
    %get3A_2 = vector.load %arg1[%get3A, %get3A_0, %get3A_1] : memref<2x2000x32xf32, #tpu.memory_space<vmem>>, vector<1x2000x32xf32>
    %get3A_3 = vector.shape_cast %get3A_2 : vector<1x2000x32xf32> to vector<2000x32xf32>
    %get3A_4 = arith.constant 1 : index
    %get3A_5 = arith.constant 0 : index
    %get3A_6 = arith.constant 0 : index
    %get3A_7 = vector.load %arg1[%get3A_4, %get3A_5, %get3A_6] : memref<2x2000x32xf32, #tpu.memory_space<vmem>>, vector<1x2000x32xf32>
    %get3A_8 = vector.shape_cast %get3A_7 : vector<1x2000x32xf32> to vector<2000x32xf32>
    %add3A = arith.addf %get3A_3, %get3A_8 : vector<2000x32xf32>
    %slice3A = vector.extract_strided_slice %add3A {offsets = [0, 0], sizes = [2000, 16], strides = [1, 1]} : vector<2000x32xf32> to vector<2000x16xf32>
    %slice3A_9 = vector.extract_strided_slice %add3A {offsets = [0, 16], sizes = [2000, 1], strides = [1, 1]} : vector<2000x32xf32> to vector<2000x1xf32>
    %max3A = arith.constant 1.000000e+00 : f32
    %max3A_10 = vector.broadcast %max3A : f32 to vector<2000x1xf32>
    %max3A_11 = arith.maximumf %slice3A_9, %max3A_10 : vector<2000x1xf32>
    %div3A = arith.constant 1.000000e+00 : f32
    %div3A_12 = vector.broadcast %div3A : f32 to vector<2000x1xf32>
    %div3A_13 = arith.divf %div3A_12, %max3A_11 : vector<2000x1xf32>
    %mul3A = vector.broadcast %div3A_13 : vector<2000x1xf32> to vector<2000x16xf32>
    %mul3A_14 = arith.mulf %slice3A, %mul3A : vector<2000x16xf32>
    %get3A_15 = arith.constant 0 : index
    %get3A_16 = arith.constant 0 : index
    %get3A_17 = vector.load %arg3[%get3A_15, %get3A_16] : memref<1x16xf32, #tpu.memory_space<vmem>>, vector<1x16xf32>
    %add3A_18 = vector.broadcast %get3A_17 : vector<1x16xf32> to vector<2000x16xf32>
    %add3A_19 = arith.addf %mul3A_14, %add3A_18 : vector<2000x16xf32>
    %get3A_20 = arith.constant 0 : index
    %get3A_21 = arith.constant 0 : index
    %get3A_22 = vector.load %arg2[%get3A_20, %get3A_21] : memref<2000x16xf32, #tpu.memory_space<vmem>>, vector<2000x16xf32>
    %add3A_23 = arith.addf %add3A_19, %get3A_22 : vector<2000x16xf32>
    %max3A_24 = arith.constant 0.000000e+00 : f32
    %max3A_25 = vector.broadcast %max3A_24 : f32 to vector<2000x16xf32>
    %max3A_26 = arith.maximumf %add3A_23, %max3A_25 : vector<2000x16xf32>
    %swap3A = arith.constant 0 : index
    %swap3A_27 = arith.constant 0 : index
    %swap3A_28 = vector.load %arg4[%swap3A, %swap3A_27] : memref<2000x16xf32, #tpu.memory_space<vmem>>, vector<2000x16xf32>
    tpu.vector_store %arg4[%swap3A, %swap3A_27], %max3A_26 {strides = array<i32>} : memref<2000x16xf32, #tpu.memory_space<vmem>>, vector<2000x16xf32>,
    %swap3A_29 = arith.constant 0 : index
    %swap3A_30 = arith.constant 0 : index
    %swap3A_31 = vector.load %arg5[%swap3A_29, %swap3A_30] : memref<2000x1xf32, #tpu.memory_space<vmem>>, vector<2000x1xf32>
    tpu.vector_store %arg5[%swap3A_29, %swap3A_30], %div3A_13 {strides = array<i32>} : memref<2000x1xf32, #tpu.memory_space<vmem>>, vector<2000x1xf32>,
    return
  }
  func.func @transform_0(%arg0: i32) -> (i32, i32, i32) {
    %c0_i32 = arith.constant 0 : i32
    %c0_i32_0 = arith.constant 0 : i32
    %c0_i32_1 = arith.constant 0 : i32
    return %c0_i32, %arg0, %c0_i32_0 : i32, i32, i32
  }
  func.func @transform_1(%arg0: i32) -> (i32, i32) {
    %c0_i32 = arith.constant 0 : i32
    %c0_i32_0 = arith.constant 0 : i32
    return %arg0, %c0_i32 : i32, i32
  }
  func.func @transform_2(%arg0: i32) -> (i32, i32) {
    %c0_i32 = arith.constant 0 : i32
    %c0_i32_0 = arith.constant 0 : i32
    %c0_i32_1 = arith.constant 0 : i32
    return %c0_i32, %c0_i32_0 : i32, i32
  }
  func.func @transform_3(%arg0: i32) -> (i32, i32) {
    %c0_i32 = arith.constant 0 : i32
    %c0_i32_0 = arith.constant 0 : i32
    return %arg0, %c0_i32 : i32, i32
  }
  func.func @transform_4(%arg0: i32) -> (i32, i32) {
    %c0_i32 = arith.constant 0 : i32
    %c0_i32_0 = arith.constant 0 : i32
    return %arg0, %c0_i32 : i32, i32
  }
}

module attributes {stable_mosaic.version = 14 : i64} {
  func.func @_out_body(%arg0: i32, %arg1: memref<2x2000x16xf32, #tpu.memory_space<vmem>>, %arg2: memref<2000x1xf32, #tpu.memory_space<vmem>>, %arg3: memref<2000x16xf32, #tpu.memory_space<vmem>>, %arg4: memref<16x40xf32, #tpu.memory_space<vmem>>, %arg5: memref<16x40xf32, #tpu.memory_space<vmem>>, %arg6: memref<1x40xf32, #tpu.memory_space<vmem>>, %arg7: memref<2000x40xf32, #tpu.memory_space<vmem>>) attributes {dimension_semantics = [#tpu.dimension_semantics<arbitrary>], iteration_bounds = array<i64: 5>, scalar_prefetch = 0 : i64, scratch_operands = 0 : i64, tpu.core_type = #tpu.core_type<tc>, window_params = [{transform_indices = @transform_0, window_bounds = array<i64: 2, 2000, 16>}, {transform_indices = @transform_1, window_bounds = array<i64: 2000, 1>}, {transform_indices = @transform_2, window_bounds = array<i64: 2000, 16>}, {pipeline_mode = #tpu.pipeline_mode<synchronous>, transform_indices = @transform_3, window_bounds = array<i64: 16, 40>}, {pipeline_mode = #tpu.pipeline_mode<synchronous>, transform_indices = @transform_4, window_bounds = array<i64: 16, 40>}, {pipeline_mode = #tpu.pipeline_mode<synchronous>, transform_indices = @transform_5, window_bounds = array<i64: 1, 40>}, {transform_indices = @transform_6, window_bounds = array<i64: 2000, 40>}]} {
    %get3A = arith.constant 0 : index
    %get3A_0 = arith.constant 0 : index
    %get3A_1 = arith.constant 0 : index
    %get3A_2 = vector.load %arg1[%get3A, %get3A_0, %get3A_1] : memref<2x2000x16xf32, #tpu.memory_space<vmem>>, vector<1x2000x16xf32>
    %get3A_3 = vector.shape_cast %get3A_2 : vector<1x2000x16xf32> to vector<2000x16xf32>
    %get3A_4 = arith.constant 1 : index
    %get3A_5 = arith.constant 0 : index
    %get3A_6 = arith.constant 0 : index
    %get3A_7 = vector.load %arg1[%get3A_4, %get3A_5, %get3A_6] : memref<2x2000x16xf32, #tpu.memory_space<vmem>>, vector<1x2000x16xf32>
    %get3A_8 = vector.shape_cast %get3A_7 : vector<1x2000x16xf32> to vector<2000x16xf32>
    %add3A = arith.addf %get3A_3, %get3A_8 : vector<2000x16xf32>
    %get3A_9 = arith.constant 0 : index
    %get3A_10 = arith.constant 0 : index
    %get3A_11 = vector.load %arg2[%get3A_9, %get3A_10] : memref<2000x1xf32, #tpu.memory_space<vmem>>, vector<2000x1xf32>
    %mul3A = vector.broadcast %get3A_11 : vector<2000x1xf32> to vector<2000x16xf32>
    %mul3A_12 = arith.mulf %add3A, %mul3A : vector<2000x16xf32>
    %get3A_13 = arith.constant 0 : index
    %get3A_14 = arith.constant 0 : index
    %get3A_15 = vector.load %arg4[%get3A_13, %get3A_14] : memref<16x40xf32, #tpu.memory_space<vmem>>, vector<16x40xf32>
    %dot_general3A = arith.constant dense<0.000000e+00> : vector<2000x40xf32>
    %dot_general3A_16 = tpu.matmul %mul3A_12, %get3A_15, %dot_general3A {dimension_numbers = #tpu.dot_dimension_numbers<[1], [0], [0], [1], [0, 0, 1, 1], [], []>, transpose_lhs_hint = false} : vector<2000x16xf32>, vector<16x40xf32>, vector<2000x40xf32> -> vector<2000x40xf32>
    %get3A_17 = arith.constant 0 : index
    %get3A_18 = arith.constant 0 : index
    %get3A_19 = vector.load %arg3[%get3A_17, %get3A_18] : memref<2000x16xf32, #tpu.memory_space<vmem>>, vector<2000x16xf32>
    %get3A_20 = arith.constant 0 : index
    %get3A_21 = arith.constant 0 : index
    %get3A_22 = vector.load %arg5[%get3A_20, %get3A_21] : memref<16x40xf32, #tpu.memory_space<vmem>>, vector<16x40xf32>
    %dot_general3A_23 = arith.constant dense<0.000000e+00> : vector<2000x40xf32>
    %dot_general3A_24 = tpu.matmul %get3A_19, %get3A_22, %dot_general3A_23 {dimension_numbers = #tpu.dot_dimension_numbers<[1], [0], [0], [1], [0, 0, 1, 1], [], []>, transpose_lhs_hint = false} : vector<2000x16xf32>, vector<16x40xf32>, vector<2000x40xf32> -> vector<2000x40xf32>
    %add3A_25 = arith.addf %dot_general3A_16, %dot_general3A_24 : vector<2000x40xf32>
    %get3A_26 = arith.constant 0 : index
    %get3A_27 = arith.constant 0 : index
    %get3A_28 = vector.load %arg6[%get3A_26, %get3A_27] : memref<1x40xf32, #tpu.memory_space<vmem>>, vector<1x40xf32>
    %add3A_29 = vector.broadcast %get3A_28 : vector<1x40xf32> to vector<2000x40xf32>
    %add3A_30 = arith.addf %add3A_25, %add3A_29 : vector<2000x40xf32>
    %swap3A = arith.constant 0 : index
    %swap3A_31 = arith.constant 0 : index
    %swap3A_32 = vector.load %arg7[%swap3A, %swap3A_31] : memref<2000x40xf32, #tpu.memory_space<vmem>>, vector<2000x40xf32>
    tpu.vector_store %arg7[%swap3A, %swap3A_31], %add3A_30 {strides = array<i32>} : memref<2000x40xf32, #tpu.memory_space<vmem>>, vector<2000x40xf32>,
    return
  }
  func.func @transform_0(%arg0: i32) -> (i32, i32, i32) {
    %c0_i32 = arith.constant 0 : i32
    %c0_i32_0 = arith.constant 0 : i32
    %c0_i32_1 = arith.constant 0 : i32
    return %c0_i32, %arg0, %c0_i32_0 : i32, i32, i32
  }
  func.func @transform_1(%arg0: i32) -> (i32, i32) {
    %c0_i32 = arith.constant 0 : i32
    %c0_i32_0 = arith.constant 0 : i32
    return %arg0, %c0_i32 : i32, i32
  }
  func.func @transform_2(%arg0: i32) -> (i32, i32) {
    %c0_i32 = arith.constant 0 : i32
    %c0_i32_0 = arith.constant 0 : i32
    return %arg0, %c0_i32 : i32, i32
  }
  func.func @transform_3(%arg0: i32) -> (i32, i32) {
    %c0_i32 = arith.constant 0 : i32
    %c0_i32_0 = arith.constant 0 : i32
    %c0_i32_1 = arith.constant 0 : i32
    return %c0_i32, %c0_i32_0 : i32, i32
  }
  func.func @transform_4(%arg0: i32) -> (i32, i32) {
    %c0_i32 = arith.constant 0 : i32
    %c0_i32_0 = arith.constant 0 : i32
    %c0_i32_1 = arith.constant 0 : i32
    return %c0_i32, %c0_i32_0 : i32, i32
  }
  func.func @transform_5(%arg0: i32) -> (i32, i32) {
    %c0_i32 = arith.constant 0 : i32
    %c0_i32_0 = arith.constant 0 : i32
    %c0_i32_1 = arith.constant 0 : i32
    return %c0_i32, %c0_i32_0 : i32, i32
  }
  func.func @transform_6(%arg0: i32) -> (i32, i32) {
    %c0_i32 = arith.constant 0 : i32
    %c0_i32_0 = arith.constant 0 : i32
    return %arg0, %c0_i32 : i32, i32
  }
}

</mosaic_0001>

<sc_bundles>
// kernel: kernel.10.cloned.1.call-start
scs
__scs_entry_jumppad:
0x0: {  	(pc) =	sbr.rel $0x88, $3  }
0x1: {  	(tag) =	ssettag $0x0;
	lr =	simm.s32 $0x1  }
0x2: {  	[smem:$0x3F99] =	sst lr;
	_ =	strace $0xD0000000  }
0x3: {  	_ = 	snop  }
0x4: {  	_ = 	snop  }
0x5: {  	_ = 	snop  }
0x6: {  	_ = 	snop  }
0x7: {  	_ = 	snop  }
__scs_overlays_trampoline_lowered:
0x8: {  	[smem:$0x3FA8] =	sst s0  }
0x9: {  	[smem:$0x3FA9] =	sst s1  }
0xa: {  	[smem:$0x3FAA] =	sst s2  }
0xb: {  	[smem:$0x3FAB] =	sst s3  }
0xc: {  	[smem:$0x3FAC] =	sst s4  }
0xd: {  	[smem:$0x3FAD] =	sst s5  }
0xe: {  	[smem:$0x3FAE] =	sst s6  }
0xf: {  	[smem:$0x3FAF] =	sst s7  }
0x10: {  	[smem:$0x3FB0] =	sst s8  }
0x11: {  	[smem:$0x3FB1] =	sst s9;
	s0 =	simm.s32 @!p0 $0x0  }
0x12: {  	s1 =	sld [smem:$0x3F97];
	s0 =	simm.s32 @p0 $0x1  }
0x13: {  	[smem:$0x3FB2] =	sst s0;
	s0 =	simm.s32 @!p1 $0x0  }
0x14: {  	s2 =	sld [smem:$0x3F96];
	s0 =	simm.s32 @p1 $0x1  }
0x15: {  	[smem:$0x3FB3] =	sst s0;
	s0 =	simm.s32 @!p2 $0x0  }
0x16: {  	s3 =	sld [smem:$0x3FDB];
	s0 =	simm.s32 @p2 $0x1  }
0x17: {  	s4 =	simm.s32 $0x1BF5;
	[smem:$0x3FB5] =	sst s0  }
0x18: {  	s0 =	sld [smem:$0x3F98];
	_ =	swait.ge [sflag:s4], $0x0  }
0x19: {  	s7 =	sld [smem:$0x3F99]  }
0x1a: {  	s8 =	sadd.s32 $0xFFFFE003, lr  }
0x1b: {  	s9 =	sadd.s32 $0xFFFFFEF7, lr;
	s5 =	simm.s32 $0xFFFFFFFF;
	p2 =	slt.u32 s8, $0xFFFFF086  }
0x1c: {  	p1 =	slt.u32 s9, $0xF7A;
	s5 =	simm.s32 @!p2 $0x0  }
0x1d: {  	s5 =	simm.s32 @p1 $0x1;
	p0 =	seq.s32 s7, s2  }
0x1e: {  	s7 =	smul.u32 @!p0 $0xF7A, s2;
	p2 =	seq.s32 @!p0 s5, $0x0  }
0x1f: {  	s9 =	smul.u32 $0xF7A, s1;
	s8 =	simm.s32 @!p0 $0x1BF5;
	p2 =	por !p2, p0  }
0x20: {  	[sflag:s8] =	ssyncset.s32 @!p0 $0xFFFFF086;
	s6 =	sadd.s32 @!p0 s3, s7;
	s7 =	simm.s32 @!p0 $0x108  }
0x21: {  	s3 =	sadd.s32 s3, s9;
	s6 =	sadd.s32 @!p0 $0x88, s6;
	s7 =	simm.s32 @p2 $0x1082  }
0x22: {  	[simem:s7], [sflag:s8] =	dma.local @!p0 [hbm:s6], $0xF7A  }
0x23: {  	s9 =	sor.u32 $0xD0000000, s2;
	s6 =	simm.s32 $0x108;
	_ =	swait.ge @!p0 [sflag:s8], $0x0  }
0x24: {  	s3 =	sadd.s32 $0x88, s3;
	s6 =	simm.s32 @!p1 $0x1082;
	[sflag:s4] =	ssyncset.s32 $0xFFFFF086  }
0x25: {  	[simem:s6], [sflag:s4] =	dma.local [hbm:s3], $0xF7A  }
0x26: {  	[smem:$0x3F99] =	sst s1;
	(tag) =	ssettag s2;
	_ =	strace s9  }
0x27: {  	s1 =	sld [smem:$0x3FA9]  }
0x28: {  	s2 =	sld [smem:$0x3FAA]  }
0x29: {  	s4 =	sld [smem:$0x3FAC]  }
0x2a: {  	p0 =	seq.s32 s5, $0x0;
	s5 =	sld [smem:$0x3FAD]  }
0x2b: {  	s6 =	sld [smem:$0x3FAE]  }
0x2c: {  	s7 =	sld [smem:$0x3FAF]  }
0x2d: {  	s3 =	simm.s32 $0x108;
	s8 =	sld [smem:$0x3FB0]  }
0x2e: {  	s3 =	simm.s32 @!p0 $0x1082;
	s9 =	sld [smem:$0x3FB1]  }
0x2f: {  	lr =	sadd.s32 s0, s3;
	s0 =	sld [smem:$0x3FA8]  }
0x30: {  	s3 =	sld [smem:$0x3FAB]  }
0x31: {  	[smem:$0x3FB4] =	sst s10  }
0x32: {  	s10 =	sld [smem:$0x3FB2];
	_ =	sdelay $0x3  }
0x33: {  	p0 =	seq.s32 s10, $0x1;
	s10 =	sld [smem:$0x3FB4];
	_ =	sdelay $0x3  }
0x34: {  	[smem:$0x3FB4] =	sst s10  }
0x35: {  	s10 =	sld [smem:$0x3FB3];
	_ =	sdelay $0x3  }
0x36: {  	p1 =	seq.s32 s10, $0x1;
	s10 =	sld [smem:$0x3FB4];
	_ =	sdelay $0x3  }
0x37: {  	[smem:$0x3FB4] =	sst s10  }
0x38: {  	s10 =	sld [smem:$0x3FB5]  }
0x39: {  	_ = 	snop;
	(pc) =	sbr.ind lr, $3  }
0x3a: {  	_ = 	snop  }
0x3b: {  	_ = 	snop  }
0x3c: {  	p2 =	seq.s32 s10, $0x1;
	s10 =	sld [smem:$0x3FB4]  }
0x3d: {  	_ =	shalt  }
0x3e: {  	_ =	shalt  }
0x3f: {  	_ =	shalt  }
0x40: {  	_ =	shalt  }
0x41: {  	_ =	shalt  }
0x42: {  	_ =	shalt  }
0x43: {  	_ =	shalt  }
0x44: {  	_ =	shalt  }
0x45: {  	_ =	shalt  }
0x46: {  	_ =	shalt  }
0x47: {  	_ =	shalt  }
0x48: {  	_ =	shalt  }
0x49: {  	_ =	shalt  }
0x4a: {  	_ =	shalt  }
0x4b: {  	_ =	shalt  }
0x4c: {  	_ =	shalt  }
0x4d: {  	_ =	shalt  }
0x4e: {  	_ =	shalt  }
0x4f: {  	_ =	shalt  }
0x50: {  	_ =	shalt  }
0x51: {  	_ =	shalt  }
0x52: {  	_ =	shalt  }
0x53: {  	_ =	shalt  }
0x54: {  	_ =	shalt  }
0x55: {  	_ =	shalt  }
0x56: {  	_ =	shalt  }
0x57: {  	_ =	shalt  }
0x58: {  	_ =	shalt  }
0x59: {  	_ =	shalt  }
0x5a: {  	_ =	shalt  }
0x5b: {  	_ =	shalt  }
0x5c: {  	_ =	shalt  }
0x5d: {  	_ =	shalt  }
0x5e: {  	_ =	shalt  }
0x5f: {  	_ =	shalt  }
0x60: {  	_ =	shalt  }
0x61: {  	_ =	shalt  }
0x62: {  	_ =	shalt  }
0x63: {  	_ =	shalt  }
0x64: {  	_ =	shalt  }
0x65: {  	_ =	shalt  }
0x66: {  	_ =	shalt  }
0x67: {  	_ =	shalt  }
0x68: {  	_ =	shalt  }
0x69: {  	_ =	shalt  }
0x6a: {  	_ =	shalt  }
0x6b: {  	_ =	shalt  }
0x6c: {  	_ =	shalt  }
0x6d: {  	_ =	shalt  }
0x6e: {  	_ =	shalt  }
0x6f: {  	_ =	shalt  }
0x70: {  	_ =	shalt  }
0x71: {  	_ =	shalt  }
0x72: {  	_ =	shalt  }
0x73: {  	_ =	shalt  }
0x74: {  	_ =	shalt  }
0x75: {  	_ =	shalt  }
0x76: {  	_ =	shalt  }
0x77: {  	_ =	shalt  }
0x78: {  	_ =	shalt  }
0x79: {  	_ =	shalt  }
0x7a: {  	_ =	shalt  }
0x7b: {  	_ =	shalt  }
0x7c: {  	_ =	shalt  }
0x7d: {  	_ =	shalt  }
0x7e: {  	_ =	shalt  }
0x7f: {  	_ =	shalt  }
0x80: {  	_ =	shalt  }
0x81: {  	_ =	shalt  }
0x82: {  	_ =	shalt  }
0x83: {  	_ =	shalt  }
0x84: {  	_ =	shalt  }
0x85: {  	_ =	shalt  }
0x86: {  	_ =	shalt  }
0x87: {  	_ =	shalt  }
.Lfunc_end0:
.L_simem_size_0:
called_computation.1_lowered:
.L_overlay_start_0:
0x88: {  	s2 =	sld [smem:$0x3FD9]  }
0x89: {  	s3 =	sld [smem:$0x3FFE];
	_ =	sdelay $0x1  }
0x8a: {  	s1 =	srdreg.scid  }
0x8b: {  	s0 =	sand.u32 $0x1, s1  }
0x8c: {  	s17 =	sshll.u32 s0, $0xA;
	s2 =	sadd.s32 s3, s2  }
0x8d: {  	s2 =	sadd.s32 s2, s17  }
0x8e: {  	[smem:$0x3FC0] =	sst s2  }
0x8f: {  	_ = 	snop  }
0x90: {  	s2 =	sld [smem:$0x3FD0];
	(tm) =	ssettm $0x1  }
0x91: {  	s18 =	sld [smem:$0x3FFB];
	_ =	sdelay $0x3  }
0x92: {  	_ =	strace s18  }
0x93: {  	s3 =	sld [smem:$0x3FFC];
	_ =	sdelay $0x3  }
0x94: {  	_ =	strace s3  }
0x95: {  	s3 =	sld [smem:$0x3FFD];
	_ =	sdelay $0x3  }
0x96: {  	_ =	strace s3  }
0x97: {  	_ =	strace $0x8FFFFFFF  }
0x98: {  	s19 =	sld [smem:$0x3FDB];
	_ =	sdelay $0x1  }
0x99: {  	s4 =	simm.s32 $_scs_section_size  }
0x9a: {  	s5 =	simm.s32 $_size__tile_overlayer_lowered;
	s6 =	simm.s32 $_tile_overlayer_lowered  }
0x9b: {  	s22 =	simm.s32 $0x1BFF;
	s21 =	sshll.u32 s6, $0x1;
	s3 =	sadd.s32 s4, s19  }
0x9c: {  	s7 =	simm.s32 $0x0;
	s20 =	sshll.u32 s5, $0x1;
	s5 =	sadd.s32 s21, s3  }
0x9d: {  	[timem:s7], [sflag:s22] =	dma.local [hbm:s5], s20  }
0x9e: {  	_ =	swait.ge [sflag:s22], s20  }
0x9f: {  	s4 =	ssub.s32 $0x0, s20;
	[sflag:s22] =	ssyncset.done $0x0  }
0xa0: {  	[sflag:s22] =	ssyncadd.s32 s4;
	_ =	sdelay $0x1  }
0xa1: {  	s23 =	simm.s32 $0x1B8B  }
0xa2: {  	_ =	swait.ge [sflag:s23], $0x1  }
0xa3: {  	[sflag:s23] =	ssyncset.done $0x0  }
0xa4: {  	s25 =	simm.s32 $0x1B8E;
	s24 =	sld [smem:$0x3FFE];
	[sflag:s23] =	ssyncadd.s32 $0xFFFFFFFF  }
0xa5: {  	s26 =	simm.s32 $execute0_lowered;
	[smem:$0x3FD2] =	sst s25  }
0xa6: {  	s5 =	sshll.u32 s26, $0x1;
	_ =	strace $0x80000049;
	[dreg:$0x1] =	wrdreg $0xFFFFFFFF  }
0xa7: {  	s28 =	simm.s32 $_size_execute0_lowered;
	s3 =	sadd.s32 s3, s5;
	[dreg:$0x0] =	wrdreg $0x0  }
0xa8: {  	s5 =	sshll.u32 s28, $0x1;
	[dreg:$0x2] =	wrdreg s3  }
0xa9: {  	[dreg:$0x3] =	wrdreg s5  }
0xaa: {  	[dreg:$0x4] =	wrdreg $0xC0  }
0xab: {  	_ =	task [dreg:s7], $0x5FFFF  }
0xac: {  	[dreg:$0x1] =	wrdreg $0xFFFFFFFF  }
0xad: {  	[dreg:$0x0] =	wrdreg $0x60  }
0xae: {  	[dreg:$0x2] =	wrdreg s24  }
0xaf: {  	[dreg:$0x3] =	wrdreg s2  }
0xb0: {  	[dreg:$0x4] =	wrdreg $0x0  }
0xb1: {  	[dreg:$0x5] =	wrdreg $0x9  }
0xb2: {  	_ =	task.clear_ibuf [dreg:s7], $0x6FFFF;
	_ =	strace $0x90000049  }
0xb3: {  	s29 =	simm.s32 $0x9;
	_ =	strace $0x8000004B  }
0xb4: {  	_ =	swait.ge [sflag:s29], $0x1  }
0xb5: {  	[sflag:s29] =	ssyncadd.s32 $0xFFFFFFFF  }
0xb6: {  	_ =	strace $0x9000004B  }
0xb7: {  	_ =	sfence  }
0xb8: {  	s30 =	sld [smem:$0x0];
	_ =	sdelay $0x2  }
0xb9: {  	s31 =	sshll.u32 s1, $0xD;
	s1 =	sshrl.u32 s1, $0x2  }
0xba: {  	s3 =	sand.u32 $0x4000, s31;
	s1 =	sadd.s32 s1, s30  }
0xbb: {  	s0 =	sor.u32 s3, s0;
	s1 =	sshll.u32 s1, $0x11  }
0xbc: {  	s0 =	sor.u32 s1, s0  }
0xbd: {  	s0 =	sadd.s32 $0x8F2B, s0  }
0xbe: {  	[sflag:s0] =	ssyncadd.remote.s32 $0x1  }
0xbf: {  	_ =	sfence.sel $0xFFFF  }
0xc0: {  	[dreg:$0x0] =	wrdreg $0xFFFFFFFF;
	(pc) =	sbr.abs _section_cstart, $3  }
0xc1: {  	[dreg:$0x1] =	wrdreg $0xFFFFFFFF  }
0xc2: {  	_ =	task.clear_ibuf [dreg:s7], $0x2FFFF;
	_ =	strace $0x9FFFFFFF  }
0xc3: {  	(tm) =	ssettm $0x7FFFFFFF  }
tec
execute0_lowered:
.L_overlay_start_1:
0x0: {  	(tag) =	ssettag $0x1  }
0x1: {  	s4 =	rddreg [dreg:$0x0]  }
0x2: {  	s5 =	rddreg [dreg:$0x1]  }
0x3: {  	s1 =	rddreg [dreg:$0x2];
	s2 =	srdreg.scid  }
0x4: {  	s0 =	rddreg [dreg:$0x3];
	s18 =	stileid.u32  }
0x5: {  	s13 =	simm.s32 $0x2760;
	s14 =	simm.s32 $0x50;
	s15 =	simm.s32 $0x27B0  }
0x6: {  	s16 =	simm.s32 $0x1;
	s20 =	simm.s32 $0x0;
	s8 =	smul.u32 $0x2710, s18  }
0x7: {  	s6 =	sand.u32 $0x1, s2;
	s2 =	simm.s32 $0x0;
	s10 =	smul.u32 $0x4E0, s18  }
0x8: {  	s3 =	sadd.s32 $0x14600, s4;
	s12 =	smul.u32 $0x9C00, s18;
	s17 =	sadd.s32 $0x24900, s1  }
0x9: {  	p0 =	sne.s32 s18, $0x0;
	p1 =	seq.s32 s18, $0xF;
	s7 =	smul.u32 $0x27100, s6  }
0xa: {  	[smem:$0x7FF] =	sst s2;
	s9 =	smul.u32 $0x4E20, s6;
	s6 =	ssub.s32 $0x2, s6  }
0xb: {  	s17 =	sshrl.u32 @p1 s17, $0x3;
	s18 =	sshll.u32 @!p1 s18, $0x6;
	_ =	strace $0x8000004A  }
0xc: {  	s28 =	sshrl.u32 s6, $0x1;
	s31 =	sshrl.u32 s12, $0x2;
	s12 =	simm.s32 $0x2  }
0xd: {  	s18 =	sor.u32 @!p1 $0x1C02, s18;
	s8 =	sadd.s32 s8, s7;
	s29 =	sshrl.u32 s7, $0x3  }
0xe: {  	s30 =	sadd.s32 s10, s9;
	s19 =	sadd.s32 s31, s1;
	s8 =	sshrl.u32 s8, $0x3  }
0xf: {  	s10 =	sshrl.u32 @!p0 s1, $0x3;
	s19 =	sshrl.u32 @!p1 s19, $0x3;
	s11 =	sadd.s32 s8, s4  }
0x10: {  	s4 =	sadd.s32 $0x19600, s4;
	s8 =	ssub.s32 s6, s28;
	s6 =	sadd.s32 s5, s29  }
0x11: {  	s5 =	sadd.s32 s5, s30;
	s6 =	sadd.s32 $0x4920, s6;
	s7 =	smax.u32 s8, $0x1  }
0x12: {  	s8 =	sadd.s32 $0xA00, s11;
	s9 =	sadd.s32 $0xA800, s11;
	s11 =	simm.s32 $0x2710  }
.LBB2_1:
0x13: {  	s21 =	simm.s32 @!p0 $0x1C02  }
0x14: {  	[spmem:s10], [sflag:s21] =	dma.local @!p0 [hbm:s4], $0x4E20  }
0x15: {  	s21 =	simm.s32 @!p0 $0x2  }
0x16: {  	_ =	swait.ge @!p0 [sflag:s21], $0x4E20  }
0x17: {  	[sflag:s21] =	ssyncset.done @!p0 $0x0  }
0x18: {  	[sflag:s21] =	ssyncadd.s32 @!p0 $0xFFFFB1E0  }
0x19: {  	s30 =	sadd.s32 $0x0, s9;
	[bflag:$0x0] =	sbarrier.arrive $0xFFFF  }
0x1a: {  	[tilespmem:s11], [sflag:$0x2] =	stream.linear.gather [hbm4b:s30+s2], $0x50, $0x38;
	[tilespmem:$0x2CB0] =	vst v63  }
0x1b: {  	_ =	swait.ge [sflag:s12], $0x50  }
0x1c: {  	[sflag:s12] =	ssyncset.done $0x0  }
0x1d: {  	s31 =	sadd.s32 $0x0, s8;
	[sflag:s12] =	ssyncadd.s32 $0xFFFFFFB0  }
0x1e: {  	[tilespmem:s13], [sflag:$0x2] =	stream.linear.gather [hbm4b:s31+s2], $0x50, $0x38;
	[tilespmem:$0x2CB0] =	vst v63  }
0x1f: {  	_ =	swait.ge [sflag:s12], $0x50  }
0x20: {  	[sflag:s12] =	ssyncset.done $0x0  }
0x21: {  	[sflag:s12] =	ssyncadd.s32 $0xFFFFFFB0  }
0x22: {  	[tilespmem:s15], [sflag:$0x1] =	stream.indirect.gather [hbm4b:s3+s14], $0x10, s11, s14, $0xb8;
	[tilespmem:$0x2CB0] =	vst v63  }
0x23: {  	_ =	swait.ge [sflag:s16], $0x500  }
0x24: {  	[sflag:s16] =	ssyncset.done $0x0  }
0x25: {  	[sflag:s16] =	ssyncadd.s32 $0xFFFFFB00  }
0x26: {  	[spmem:s1] =	stream.indirect.scatter.add.f32 [tilespmem:s15], [sflag:$0x2], $0x10, s13, s14, $0xb8;
	[tilespmem:$0x2CB0] =	vst v63  }
0x27: {  	_ =	swait.ge [sflag:s12], $0x500  }
0x28: {  	s22 =	simm.s32 $0x14;
	s21 =	simm.s32 $0xA;
	[sflag:s12] =	ssyncset.done $0x0  }
.LBB2_2:
0x29: {  	s23 =	sadd.s32 s21, s9  }
0x2a: {  	[sflag:s12] =	ssyncadd.s32 $0xFFFFFB00;
	s24 =	smov.u32 s22;
	s25 =	sadd.s32 $0xA, s22  }
0x2b: {  	[tilespmem:s11], [sflag:$0x2] =	stream.linear.gather [hbm4b:s23+s2], $0x50, $0x38;
	[tilespmem:$0x2CB0] =	vst v63  }
0x2c: {  	p2 =	sne.s32 s22, $0x4D8;
	_ =	swait.ge [sflag:s12], $0x50  }
0x2d: {  	[sflag:s12] =	ssyncset.done $0x0  }
0x2e: {  	s22 =	sadd.s32 s21, s8;
	s21 =	smov.u32 s24;
	[sflag:s12] =	ssyncadd.s32 $0xFFFFFFB0  }
0x2f: {  	[tilespmem:s13], [sflag:$0x2] =	stream.linear.gather [hbm4b:s22+s2], $0x50, $0x38;
	[tilespmem:$0x2CB0] =	vst v63  }
0x30: {  	_ =	swait.ge [sflag:s12], $0x50  }
0x31: {  	[sflag:s12] =	ssyncset.done $0x0  }
0x32: {  	[sflag:s12] =	ssyncadd.s32 $0xFFFFFFB0  }
0x33: {  	[tilespmem:s15], [sflag:$0x1] =	stream.indirect.gather [hbm4b:s3+s14], $0x10, s11, s14, $0xb8;
	[tilespmem:$0x2CB0] =	vst v63  }
0x34: {  	_ =	swait.ge [sflag:s16], $0x500  }
.Ltmp0:
0x35: {  	[sflag:s16] =	ssyncset.done $0x0;
	(pc) =	sbr.rel @p2 .LBB2_2-.Ltmp0, $4  }
0x36: {  	[sflag:s16] =	ssyncadd.s32 $0xFFFFFB00  }
0x37: {  	[spmem:s1] =	stream.indirect.scatter.add.f32 [tilespmem:s15], [sflag:$0x2], $0x10, s13, s14, $0xb8;
	[tilespmem:$0x2CB0] =	vst v63  }
0x38: {  	_ =	swait.ge [sflag:s12], $0x500  }
0x39: {  	s22 =	smov.u32 s25;
	[sflag:s12] =	ssyncset.done $0x0  }
0x3a: {  	s22 =	sadd.s32 s21, s9;
	[sflag:s12] =	ssyncadd.s32 $0xFFFFFB00  }
0x3b: {  	[tilespmem:s11], [sflag:$0x2] =	stream.linear.gather [hbm4b:s22+s2], $0x50, $0x38;
	[tilespmem:$0x2CB0] =	vst v63  }
0x3c: {  	_ =	swait.ge [sflag:s12], $0x50  }
0x3d: {  	[sflag:s12] =	ssyncset.done $0x0  }
0x3e: {  	s31 =	sadd.s32 s21, s8;
	[sflag:s12] =	ssyncadd.s32 $0xFFFFFFB0  }
0x3f: {  	[tilespmem:s13], [sflag:$0x2] =	stream.linear.gather [hbm4b:s31+s2], $0x50, $0x38;
	[tilespmem:$0x2CB0] =	vst v63  }
0x40: {  	_ =	swait.ge [sflag:s12], $0x50  }
0x41: {  	[sflag:s12] =	ssyncset.done $0x0  }
0x42: {  	[sflag:s12] =	ssyncadd.s32 $0xFFFFFFB0  }
0x43: {  	[tilespmem:s15], [sflag:$0x1] =	stream.indirect.gather [hbm4b:s3+s14], $0x10, s11, s14, $0xb8;
	[tilespmem:$0x2CB0] =	vst v63  }
0x44: {  	_ =	swait.ge [sflag:s16], $0x500  }
0x45: {  	[sflag:s16] =	ssyncset.done $0x0  }
0x46: {  	[sflag:s16] =	ssyncadd.s32 $0xFFFFFB00  }
0x47: {  	[spmem:s1] =	stream.indirect.scatter.add.f32 [tilespmem:s15], [sflag:$0x2], $0x10, s13, s14, $0xb8;
	[tilespmem:$0x2CB0] =	vst v63  }
0x48: {  	_ =	swait.ge [sflag:s12], $0x500  }
0x49: {  	[sflag:s12] =	ssyncset.done $0x0  }
0x4a: {  	[sflag:s12] =	ssyncadd.s32 $0xFFFFFB00  }
0x4b: {  	s21 =	simm.s32 @p1 $0x1FC2;
	[bflag:$0x0] =	sbarrier.arrive $0xFFFF  }
0x4c: {  	[hbm:s6], [sflag:s21] =	dma.local @p1 [spmem:s17], $0x500  }
0x4d: {  	s21 =	simm.s32 @p1 $0x2  }
0x4e: {  	s20 =	sadd.s32 $0x1, s20;
	_ =	swait.ge @p1 [sflag:s21], $0x500  }
0x4f: {  	p2 =	sne.s32 s20, s7;
	[sflag:s21] =	ssyncset.done @p1 $0x0  }
.Ltmp1:
0x50: {  	[sflag:s21] =	ssyncadd.s32 @p1 $0xFFFFFB00;
	s21 =	simm.s32 @!p1 $0x2;
	(pc) =	sbr.rel @p2 .LBB2_1-.Ltmp1, $4  }
0x51: {  	[hbm:s5], [sflag:s18] =	dma.local @!p1 [spmem:s19], $0x4E0  }
0x52: {  	_ =	swait.ge @!p1 [sflag:s21], $0x4E0  }
0x53: {  	[sflag:s21] =	ssyncset.done @!p1 $0x0  }
0x54: {  	[sflag:s21] =	ssyncadd.s32 @!p1 $0xFFFFFB20  }
0x55: {  	_ =	sfence.sel $0x180000  }
0x56: {  	[bflag:$0x0] =	sbarrier.arrive $0xFFFF  }
0x57: {  	_ =	strace $0x9000004A  }
0x58: {  	s0 =	sadd.s32 @!p0 $0x100000, s0;
	[bflag:$0x2] =	sbarrier.arrive $0xFFFF  }
0x59: {  	[sflag:s0] =	ssyncadd.tile.s32 @!p0 $0x1;
	_ =	shalt  }
.Lfunc_end2:
_tile_overlayer_lowered:
.L_overlay_start_2:
0x5a: {  	(tag) =	ssettag $0x2  }
0x5b: {  	s0 =	rddreg [dreg:$0x0];
	s2 =	stileid.u32  }
0x5c: {  	s1 =	rddreg [dreg:$0x1];
	p0 =	sne.s32 s2, $0x0  }
0x5d: {  	s3 =	rddreg [dreg:$0x2];
	[bflag:$0x3] =	sbarrier.arrive $0xFFFF;
	s2 =	simm.s32 @!p0 $0x1C02  }
0x5e: {  	[timem:s3], [sflag:s2] =	dma.local @!p0 [hbm:s0], s1  }
0x5f: {  	s0 =	simm.s32 @!p0 $0x2  }
0x60: {  	_ =	swait.ge @!p0 [sflag:s0], s1  }
0x61: {  	s1 =	ssub.s32 @!p0 $0x0, s1;
	[sflag:s0] =	ssyncset.done @!p0 $0x0  }
0x62: {  	[sflag:s0] =	ssyncadd.s32 @!p0 s1  }
0x63: {  	[bflag:$0x3] =	sbarrier.arrive $0xFFFF  }
0x64: {  	_ =	shalt  }

// kernel: kernel.7.cloned.1.call-start
scs
__scs_entry_jumppad:
0x0: {  	(pc) =	sbr.rel $0x88, $3  }
0x1: {  	(tag) =	ssettag $0x0;
	lr =	simm.s32 $0x1  }
0x2: {  	[smem:$0x3F99] =	sst lr;
	_ =	strace $0xD0000000  }
0x3: {  	_ = 	snop  }
0x4: {  	_ = 	snop  }
0x5: {  	_ = 	snop  }
0x6: {  	_ = 	snop  }
0x7: {  	_ = 	snop  }
__scs_overlays_trampoline_lowered:
0x8: {  	[smem:$0x3FA8] =	sst s0  }
0x9: {  	[smem:$0x3FA9] =	sst s1  }
0xa: {  	[smem:$0x3FAA] =	sst s2  }
0xb: {  	[smem:$0x3FAB] =	sst s3  }
0xc: {  	[smem:$0x3FAC] =	sst s4  }
0xd: {  	[smem:$0x3FAD] =	sst s5  }
0xe: {  	[smem:$0x3FAE] =	sst s6  }
0xf: {  	[smem:$0x3FAF] =	sst s7  }
0x10: {  	[smem:$0x3FB0] =	sst s8  }
0x11: {  	[smem:$0x3FB1] =	sst s9;
	s0 =	simm.s32 @!p0 $0x0  }
0x12: {  	s1 =	sld [smem:$0x3F97];
	s0 =	simm.s32 @p0 $0x1  }
0x13: {  	[smem:$0x3FB2] =	sst s0;
	s0 =	simm.s32 @!p1 $0x0  }
0x14: {  	s2 =	sld [smem:$0x3F96];
	s0 =	simm.s32 @p1 $0x1  }
0x15: {  	[smem:$0x3FB3] =	sst s0;
	s0 =	simm.s32 @!p2 $0x0  }
0x16: {  	s3 =	sld [smem:$0x3FDB];
	s0 =	simm.s32 @p2 $0x1  }
0x17: {  	s4 =	simm.s32 $0x1BF5;
	[smem:$0x3FB5] =	sst s0  }
0x18: {  	s0 =	sld [smem:$0x3F98];
	_ =	swait.ge [sflag:s4], $0x0  }
0x19: {  	s7 =	sld [smem:$0x3F99]  }
0x1a: {  	s8 =	sadd.s32 $0xFFFFE003, lr  }
0x1b: {  	s9 =	sadd.s32 $0xFFFFFEF7, lr;
	s5 =	simm.s32 $0xFFFFFFFF;
	p2 =	slt.u32 s8, $0xFFFFF086  }
0x1c: {  	p1 =	slt.u32 s9, $0xF7A;
	s5 =	simm.s32 @!p2 $0x0  }
0x1d: {  	s5 =	simm.s32 @p1 $0x1;
	p0 =	seq.s32 s7, s2  }
0x1e: {  	s7 =	smul.u32 @!p0 $0xF7A, s2;
	p2 =	seq.s32 @!p0 s5, $0x0  }
0x1f: {  	s9 =	smul.u32 $0xF7A, s1;
	s8 =	simm.s32 @!p0 $0x1BF5;
	p2 =	por !p2, p0  }
0x20: {  	[sflag:s8] =	ssyncset.s32 @!p0 $0xFFFFF086;
	s6 =	sadd.s32 @!p0 s3, s7;
	s7 =	simm.s32 @!p0 $0x108  }
0x21: {  	s3 =	sadd.s32 s3, s9;
	s6 =	sadd.s32 @!p0 $0x88, s6;
	s7 =	simm.s32 @p2 $0x1082  }
0x22: {  	[simem:s7], [sflag:s8] =	dma.local @!p0 [hbm:s6], $0xF7A  }
0x23: {  	s9 =	sor.u32 $0xD0000000, s2;
	s6 =	simm.s32 $0x108;
	_ =	swait.ge @!p0 [sflag:s8], $0x0  }
0x24: {  	s3 =	sadd.s32 $0x88, s3;
	s6 =	simm.s32 @!p1 $0x1082;
	[sflag:s4] =	ssyncset.s32 $0xFFFFF086  }
0x25: {  	[simem:s6], [sflag:s4] =	dma.local [hbm:s3], $0xF7A  }
0x26: {  	[smem:$0x3F99] =	sst s1;
	(tag) =	ssettag s2;
	_ =	strace s9  }
0x27: {  	s1 =	sld [smem:$0x3FA9]  }
0x28: {  	s2 =	sld [smem:$0x3FAA]  }
0x29: {  	s4 =	sld [smem:$0x3FAC]  }
0x2a: {  	p0 =	seq.s32 s5, $0x0;
	s5 =	sld [smem:$0x3FAD]  }
0x2b: {  	s6 =	sld [smem:$0x3FAE]  }
0x2c: {  	s7 =	sld [smem:$0x3FAF]  }
0x2d: {  	s3 =	simm.s32 $0x108;
	s8 =	sld [smem:$0x3FB0]  }
0x2e: {  	s3 =	simm.s32 @!p0 $0x1082;
	s9 =	sld [smem:$0x3FB1]  }
0x2f: {  	lr =	sadd.s32 s0, s3;
	s0 =	sld [smem:$0x3FA8]  }
0x30: {  	s3 =	sld [smem:$0x3FAB]  }
0x31: {  	[smem:$0x3FB4] =	sst s10  }
0x32: {  	s10 =	sld [smem:$0x3FB2];
	_ =	sdelay $0x3  }
0x33: {  	p0 =	seq.s32 s10, $0x1;
	s10 =	sld [smem:$0x3FB4];
	_ =	sdelay $0x3  }
0x34: {  	[smem:$0x3FB4] =	sst s10  }
0x35: {  	s10 =	sld [smem:$0x3FB3];
	_ =	sdelay $0x3  }
0x36: {  	p1 =	seq.s32 s10, $0x1;
	s10 =	sld [smem:$0x3FB4];
	_ =	sdelay $0x3  }
0x37: {  	[smem:$0x3FB4] =	sst s10  }
0x38: {  	s10 =	sld [smem:$0x3FB5]  }
0x39: {  	_ = 	snop;
	(pc) =	sbr.ind lr, $3  }
0x3a: {  	_ = 	snop  }
0x3b: {  	_ = 	snop  }
0x3c: {  	p2 =	seq.s32 s10, $0x1;
	s10 =	sld [smem:$0x3FB4]  }
0x3d: {  	_ =	shalt  }
0x3e: {  	_ =	shalt  }
0x3f: {  	_ =	shalt  }
0x40: {  	_ =	shalt  }
0x41: {  	_ =	shalt  }
0x42: {  	_ =	shalt  }
0x43: {  	_ =	shalt  }
0x44: {  	_ =	shalt  }
0x45: {  	_ =	shalt  }
0x46: {  	_ =	shalt  }
0x47: {  	_ =	shalt  }
0x48: {  	_ =	shalt  }
0x49: {  	_ =	shalt  }
0x4a: {  	_ =	shalt  }
0x4b: {  	_ =	shalt  }
0x4c: {  	_ =	shalt  }
0x4d: {  	_ =	shalt  }
0x4e: {  	_ =	shalt  }
0x4f: {  	_ =	shalt  }
0x50: {  	_ =	shalt  }
0x51: {  	_ =	shalt  }
0x52: {  	_ =	shalt  }
0x53: {  	_ =	shalt  }
0x54: {  	_ =	shalt  }
0x55: {  	_ =	shalt  }
0x56: {  	_ =	shalt  }
0x57: {  	_ =	shalt  }
0x58: {  	_ =	shalt  }
0x59: {  	_ =	shalt  }
0x5a: {  	_ =	shalt  }
0x5b: {  	_ =	shalt  }
0x5c: {  	_ =	shalt  }
0x5d: {  	_ =	shalt  }
0x5e: {  	_ =	shalt  }
0x5f: {  	_ =	shalt  }
0x60: {  	_ =	shalt  }
0x61: {  	_ =	shalt  }
0x62: {  	_ =	shalt  }
0x63: {  	_ =	shalt  }
0x64: {  	_ =	shalt  }
0x65: {  	_ =	shalt  }
0x66: {  	_ =	shalt  }
0x67: {  	_ =	shalt  }
0x68: {  	_ =	shalt  }
0x69: {  	_ =	shalt  }
0x6a: {  	_ =	shalt  }
0x6b: {  	_ =	shalt  }
0x6c: {  	_ =	shalt  }
0x6d: {  	_ =	shalt  }
0x6e: {  	_ =	shalt  }
0x6f: {  	_ =	shalt  }
0x70: {  	_ =	shalt  }
0x71: {  	_ =	shalt  }
0x72: {  	_ =	shalt  }
0x73: {  	_ =	shalt  }
0x74: {  	_ =	shalt  }
0x75: {  	_ =	shalt  }
0x76: {  	_ =	shalt  }
0x77: {  	_ =	shalt  }
0x78: {  	_ =	shalt  }
0x79: {  	_ =	shalt  }
0x7a: {  	_ =	shalt  }
0x7b: {  	_ =	shalt  }
0x7c: {  	_ =	shalt  }
0x7d: {  	_ =	shalt  }
0x7e: {  	_ =	shalt  }
0x7f: {  	_ =	shalt  }
0x80: {  	_ =	shalt  }
0x81: {  	_ =	shalt  }
0x82: {  	_ =	shalt  }
0x83: {  	_ =	shalt  }
0x84: {  	_ =	shalt  }
0x85: {  	_ =	shalt  }
0x86: {  	_ =	shalt  }
0x87: {  	_ =	shalt  }
.Lfunc_end0:
.L_simem_size_0:
called_computation_lowered:
.L_overlay_start_0:
0x88: {  	s2 =	sld [smem:$0x3FD9]  }
0x89: {  	s3 =	sld [smem:$0x3FFE];
	_ =	sdelay $0x1  }
0x8a: {  	s1 =	srdreg.scid  }
0x8b: {  	s0 =	sand.u32 $0x1, s1  }
0x8c: {  	s17 =	sshll.u32 s0, $0xA;
	s2 =	sadd.s32 s3, s2  }
0x8d: {  	s2 =	sadd.s32 s2, s17  }
0x8e: {  	[smem:$0x3FC0] =	sst s2  }
0x8f: {  	_ = 	snop  }
0x90: {  	s2 =	sld [smem:$0x3FD0];
	(tm) =	ssettm $0x1  }
0x91: {  	s18 =	sld [smem:$0x3FFB];
	_ =	sdelay $0x3  }
0x92: {  	_ =	strace s18  }
0x93: {  	s3 =	sld [smem:$0x3FFC];
	_ =	sdelay $0x3  }
0x94: {  	_ =	strace s3  }
0x95: {  	s3 =	sld [smem:$0x3FFD];
	_ =	sdelay $0x3  }
0x96: {  	_ =	strace s3  }
0x97: {  	_ =	strace $0x8FFFFFFF  }
0x98: {  	s19 =	sld [smem:$0x3FDB];
	_ =	sdelay $0x1  }
0x99: {  	s4 =	simm.s32 $_scs_section_size  }
0x9a: {  	s5 =	simm.s32 $_size__tile_overlayer_lowered;
	s6 =	simm.s32 $_tile_overlayer_lowered  }
0x9b: {  	s22 =	simm.s32 $0x1BFF;
	s21 =	sshll.u32 s6, $0x1;
	s3 =	sadd.s32 s4, s19  }
0x9c: {  	s7 =	simm.s32 $0x0;
	s20 =	sshll.u32 s5, $0x1;
	s5 =	sadd.s32 s21, s3  }
0x9d: {  	[timem:s7], [sflag:s22] =	dma.local [hbm:s5], s20  }
0x9e: {  	_ =	swait.ge [sflag:s22], s20  }
0x9f: {  	s4 =	ssub.s32 $0x0, s20;
	[sflag:s22] =	ssyncset.done $0x0  }
0xa0: {  	[sflag:s22] =	ssyncadd.s32 s4;
	_ =	sdelay $0x1  }
0xa1: {  	s23 =	simm.s32 $0x1B8B  }
0xa2: {  	_ =	swait.ge [sflag:s23], $0x1  }
0xa3: {  	[sflag:s23] =	ssyncset.done $0x0  }
0xa4: {  	s25 =	simm.s32 $0x1B8E;
	s24 =	sld [smem:$0x3FFE];
	[sflag:s23] =	ssyncadd.s32 $0xFFFFFFFF  }
0xa5: {  	s26 =	simm.s32 $execute0_lowered;
	[smem:$0x3FD2] =	sst s25  }
0xa6: {  	s5 =	sshll.u32 s26, $0x1;
	_ =	strace $0x80000046;
	[dreg:$0x1] =	wrdreg $0xFFFFFFFF  }
0xa7: {  	s28 =	simm.s32 $_size_execute0_lowered;
	s3 =	sadd.s32 s3, s5;
	[dreg:$0x0] =	wrdreg $0x0  }
0xa8: {  	s5 =	sshll.u32 s28, $0x1;
	[dreg:$0x2] =	wrdreg s3  }
0xa9: {  	[dreg:$0x3] =	wrdreg s5  }
0xaa: {  	[dreg:$0x4] =	wrdreg $0xC0  }
0xab: {  	_ =	task [dreg:s7], $0x5FFFF  }
0xac: {  	[dreg:$0x1] =	wrdreg $0xFFFFFFFF  }
0xad: {  	[dreg:$0x0] =	wrdreg $0x60  }
0xae: {  	[dreg:$0x2] =	wrdreg s2  }
0xaf: {  	[dreg:$0x3] =	wrdreg s24  }
0xb0: {  	[dreg:$0x4] =	wrdreg $0x0  }
0xb1: {  	[dreg:$0x5] =	wrdreg $0x9  }
0xb2: {  	_ =	task.clear_ibuf [dreg:s7], $0x6FFFF;
	_ =	strace $0x90000046  }
0xb3: {  	s29 =	simm.s32 $0x9;
	_ =	strace $0x80000048  }
0xb4: {  	_ =	swait.ge [sflag:s29], $0x1  }
0xb5: {  	[sflag:s29] =	ssyncadd.s32 $0xFFFFFFFF  }
0xb6: {  	_ =	strace $0x90000048  }
0xb7: {  	_ =	sfence  }
0xb8: {  	s30 =	sld [smem:$0x0];
	_ =	sdelay $0x2  }
0xb9: {  	s31 =	sshll.u32 s1, $0xD;
	s1 =	sshrl.u32 s1, $0x2  }
0xba: {  	s3 =	sand.u32 $0x4000, s31;
	s1 =	sadd.s32 s1, s30  }
0xbb: {  	s0 =	sor.u32 s3, s0;
	s1 =	sshll.u32 s1, $0x11  }
0xbc: {  	s0 =	sor.u32 s1, s0  }
0xbd: {  	s0 =	sadd.s32 $0x8F2B, s0  }
0xbe: {  	[sflag:s0] =	ssyncadd.remote.s32 $0x1  }
0xbf: {  	_ =	sfence.sel $0xFFFF  }
0xc0: {  	[dreg:$0x0] =	wrdreg $0xFFFFFFFF;
	(pc) =	sbr.abs _section_cstart, $3  }
0xc1: {  	[dreg:$0x1] =	wrdreg $0xFFFFFFFF  }
0xc2: {  	_ =	task.clear_ibuf [dreg:s7], $0x2FFFF;
	_ =	strace $0x9FFFFFFF  }
0xc3: {  	(tm) =	ssettm $0x7FFFFFFF  }
tec
execute0_lowered:
.L_overlay_start_1:
0x0: {  	(tag) =	ssettag $0x1  }
0x1: {  	s0 =	rddreg [dreg:$0x0];
	s1 =	srdreg.scid  }
0x2: {  	s5 =	rddreg [dreg:$0x1];
	s18 =	stileid.u32  }
0x3: {  	s2 =	rddreg [dreg:$0x2];
	s3 =	simm.s32 $0x0;
	s13 =	simm.s32 $0x4E70  }
0x4: {  	s14 =	simm.s32 $0x50;
	s15 =	simm.s32 $0x4EC0;
	s7 =	smul.u32 $0x2710, s18  }
0x5: {  	s16 =	simm.s32 $0x1;
	s20 =	simm.s32 $0x0;
	s8 =	smul.u32 $0x9C0, s18  }
0x6: {  	s4 =	sand.u32 $0x1, s1;
	s1 =	rddreg [dreg:$0x3];
	s12 =	smul.u32 $0x13800, s18  }
0x7: {  	[smem:$0x7FF] =	sst s3;
	s17 =	sadd.s32 $0x49200, s2;
	s6 =	smul.u32 $0x27100, s4  }
0x8: {  	p0 =	sne.s32 s18, $0x0;
	p1 =	seq.s32 s18, $0xF;
	s28 =	smul.u32 $0x9C40, s4  }
0x9: {  	_ =	strace $0x80000047;
	s29 =	ssub.s32 $0x2, s4;
	s10 =	smul.u32 $0x4E200, s4  }
0xa: {  	s4 =	sadd.s32 $0x14600, s5;
	s17 =	sshrl.u32 @p1 s17, $0x3;
	s18 =	sshll.u32 @!p1 s18, $0x6  }
0xb: {  	s11 =	sshrl.u32 s29, $0x1;
	s31 =	sshrl.u32 s12, $0x2;
	s12 =	simm.s32 $0x2  }
0xc: {  	s18 =	sor.u32 @!p1 $0x1C02, s18;
	s6 =	sadd.s32 s7, s6;
	s11 =	ssub.s32 s29, s11  }
0xd: {  	s30 =	sshrl.u32 s10, $0x3;
	s7 =	sadd.s32 s8, s28;
	s6 =	sshrl.u32 s6, $0x3  }
0xe: {  	s19 =	sadd.s32 s31, s2;
	s9 =	sadd.s32 s6, s5;
	s5 =	sadd.s32 $0x1E400, s5  }
0xf: {  	s10 =	sshrl.u32 @!p0 s2, $0x3;
	s19 =	sshrl.u32 @!p1 s19, $0x3;
	s6 =	sadd.s32 s5, s30  }
0x10: {  	s5 =	sadd.s32 s5, s7;
	s7 =	smax.u32 s11, $0x1;
	s8 =	sadd.s32 $0xA00, s9  }
0x11: {  	s9 =	sadd.s32 $0xA800, s9;
	s11 =	simm.s32 $0x4E20;
	s6 =	sadd.s32 $0x9240, s6  }
.LBB2_1:
0x12: {  	s21 =	simm.s32 @!p0 $0x1C02  }
0x13: {  	[spmem:s10], [sflag:s21] =	dma.local @!p0 [hbm:s4], $0x9C40  }
0x14: {  	s21 =	simm.s32 @!p0 $0x2  }
0x15: {  	_ =	swait.ge @!p0 [sflag:s21], $0x9C40  }
0x16: {  	[sflag:s21] =	ssyncset.done @!p0 $0x0  }
0x17: {  	[sflag:s21] =	ssyncadd.s32 @!p0 $0xFFFF63C0  }
0x18: {  	s30 =	sadd.s32 $0x0, s9;
	[bflag:$0x0] =	sbarrier.arrive $0xFFFF  }
0x19: {  	[tilespmem:s11], [sflag:$0x2] =	stream.linear.gather [hbm4b:s30+s3], $0x50, $0x38;
	[tilespmem:$0x58C0] =	vst v63  }
0x1a: {  	_ =	swait.ge [sflag:s12], $0x50  }
0x1b: {  	[sflag:s12] =	ssyncset.done $0x0  }
0x1c: {  	s31 =	sadd.s32 $0x0, s8;
	[sflag:s12] =	ssyncadd.s32 $0xFFFFFFB0  }
0x1d: {  	[tilespmem:s13], [sflag:$0x2] =	stream.linear.gather [hbm4b:s31+s3], $0x50, $0x38;
	[tilespmem:$0x58C0] =	vst v63  }
0x1e: {  	_ =	swait.ge [sflag:s12], $0x50  }
0x1f: {  	[sflag:s12] =	ssyncset.done $0x0  }
0x20: {  	[sflag:s12] =	ssyncadd.s32 $0xFFFFFFB0  }
0x21: {  	[tilespmem:s15], [sflag:$0x1] =	stream.indirect.gather [hbm4b:s0+s14], $0x20, s11, s14, $0xb8;
	[tilespmem:$0x58C0] =	vst v63  }
0x22: {  	_ =	swait.ge [sflag:s16], $0xA00  }
0x23: {  	[sflag:s16] =	ssyncset.done $0x0  }
0x24: {  	[sflag:s16] =	ssyncadd.s32 $0xFFFFF600  }
0x25: {  	[spmem:s2] =	stream.indirect.scatter.add.f32 [tilespmem:s15], [sflag:$0x2], $0x20, s13, s14, $0xb8;
	[tilespmem:$0x58C0] =	vst v63  }
0x26: {  	_ =	swait.ge [sflag:s12], $0xA00  }
0x27: {  	s22 =	simm.s32 $0x14;
	s21 =	simm.s32 $0xA;
	[sflag:s12] =	ssyncset.done $0x0  }
.LBB2_2:
0x28: {  	s23 =	sadd.s32 s21, s9  }
0x29: {  	[sflag:s12] =	ssyncadd.s32 $0xFFFFF600;
	s24 =	smov.u32 s22;
	s25 =	sadd.s32 $0xA, s22  }
0x2a: {  	[tilespmem:s11], [sflag:$0x2] =	stream.linear.gather [hbm4b:s23+s3], $0x50, $0x38;
	[tilespmem:$0x58C0] =	vst v63  }
0x2b: {  	p2 =	sne.s32 s22, $0x4D8;
	_ =	swait.ge [sflag:s12], $0x50  }
0x2c: {  	[sflag:s12] =	ssyncset.done $0x0  }
0x2d: {  	s22 =	sadd.s32 s21, s8;
	s21 =	smov.u32 s24;
	[sflag:s12] =	ssyncadd.s32 $0xFFFFFFB0  }
0x2e: {  	[tilespmem:s13], [sflag:$0x2] =	stream.linear.gather [hbm4b:s22+s3], $0x50, $0x38;
	[tilespmem:$0x58C0] =	vst v63  }
0x2f: {  	_ =	swait.ge [sflag:s12], $0x50  }
0x30: {  	[sflag:s12] =	ssyncset.done $0x0  }
0x31: {  	[sflag:s12] =	ssyncadd.s32 $0xFFFFFFB0  }
0x32: {  	[tilespmem:s15], [sflag:$0x1] =	stream.indirect.gather [hbm4b:s0+s14], $0x20, s11, s14, $0xb8;
	[tilespmem:$0x58C0] =	vst v63  }
0x33: {  	_ =	swait.ge [sflag:s16], $0xA00  }
.Ltmp0:
0x34: {  	[sflag:s16] =	ssyncset.done $0x0;
	(pc) =	sbr.rel @p2 .LBB2_2-.Ltmp0, $4  }
0x35: {  	[sflag:s16] =	ssyncadd.s32 $0xFFFFF600  }
0x36: {  	[spmem:s2] =	stream.indirect.scatter.add.f32 [tilespmem:s15], [sflag:$0x2], $0x20, s13, s14, $0xb8;
	[tilespmem:$0x58C0] =	vst v63  }
0x37: {  	_ =	swait.ge [sflag:s12], $0xA00  }
0x38: {  	s22 =	smov.u32 s25;
	[sflag:s12] =	ssyncset.done $0x0  }
0x39: {  	s22 =	sadd.s32 s21, s9;
	[sflag:s12] =	ssyncadd.s32 $0xFFFFF600  }
0x3a: {  	[tilespmem:s11], [sflag:$0x2] =	stream.linear.gather [hbm4b:s22+s3], $0x50, $0x38;
	[tilespmem:$0x58C0] =	vst v63  }
0x3b: {  	_ =	swait.ge [sflag:s12], $0x50  }
0x3c: {  	[sflag:s12] =	ssyncset.done $0x0  }
0x3d: {  	s31 =	sadd.s32 s21, s8;
	[sflag:s12] =	ssyncadd.s32 $0xFFFFFFB0  }
0x3e: {  	[tilespmem:s13], [sflag:$0x2] =	stream.linear.gather [hbm4b:s31+s3], $0x50, $0x38;
	[tilespmem:$0x58C0] =	vst v63  }
0x3f: {  	_ =	swait.ge [sflag:s12], $0x50  }
0x40: {  	[sflag:s12] =	ssyncset.done $0x0  }
0x41: {  	[sflag:s12] =	ssyncadd.s32 $0xFFFFFFB0  }
0x42: {  	[tilespmem:s15], [sflag:$0x1] =	stream.indirect.gather [hbm4b:s0+s14], $0x20, s11, s14, $0xb8;
	[tilespmem:$0x58C0] =	vst v63  }
0x43: {  	_ =	swait.ge [sflag:s16], $0xA00  }
0x44: {  	[sflag:s16] =	ssyncset.done $0x0  }
0x45: {  	[sflag:s16] =	ssyncadd.s32 $0xFFFFF600  }
0x46: {  	[spmem:s2] =	stream.indirect.scatter.add.f32 [tilespmem:s15], [sflag:$0x2], $0x20, s13, s14, $0xb8;
	[tilespmem:$0x58C0] =	vst v63  }
0x47: {  	_ =	swait.ge [sflag:s12], $0xA00  }
0x48: {  	[sflag:s12] =	ssyncset.done $0x0  }
0x49: {  	[sflag:s12] =	ssyncadd.s32 $0xFFFFF600  }
0x4a: {  	s21 =	simm.s32 @p1 $0x1FC2;
	[bflag:$0x0] =	sbarrier.arrive $0xFFFF  }
0x4b: {  	[hbm:s6], [sflag:s21] =	dma.local @p1 [spmem:s17], $0xA00  }
0x4c: {  	s21 =	simm.s32 @p1 $0x2  }
0x4d: {  	s20 =	sadd.s32 $0x1, s20;
	_ =	swait.ge @p1 [sflag:s21], $0xA00  }
0x4e: {  	p2 =	sne.s32 s20, s7;
	[sflag:s21] =	ssyncset.done @p1 $0x0  }
.Ltmp1:
0x4f: {  	[sflag:s21] =	ssyncadd.s32 @p1 $0xFFFFF600;
	s21 =	simm.s32 @!p1 $0x2;
	(pc) =	sbr.rel @p2 .LBB2_1-.Ltmp1, $4  }
0x50: {  	[hbm:s5], [sflag:s18] =	dma.local @!p1 [spmem:s19], $0x9C0  }
0x51: {  	_ =	swait.ge @!p1 [sflag:s21], $0x9C0  }
0x52: {  	[sflag:s21] =	ssyncset.done @!p1 $0x0  }
0x53: {  	[sflag:s21] =	ssyncadd.s32 @!p1 $0xFFFFF640  }
0x54: {  	_ =	sfence.sel $0x180000  }
0x55: {  	[bflag:$0x0] =	sbarrier.arrive $0xFFFF  }
0x56: {  	_ =	strace $0x90000047  }
0x57: {  	s0 =	sadd.s32 @!p0 $0x100000, s1;
	[bflag:$0x2] =	sbarrier.arrive $0xFFFF  }
0x58: {  	[sflag:s0] =	ssyncadd.tile.s32 @!p0 $0x1;
	_ =	shalt  }
.Lfunc_end2:
_tile_overlayer_lowered:
.L_overlay_start_2:
0x59: {  	(tag) =	ssettag $0x2  }
0x5a: {  	s0 =	rddreg [dreg:$0x0];
	s2 =	stileid.u32  }
0x5b: {  	s1 =	rddreg [dreg:$0x1];
	p0 =	sne.s32 s2, $0x0  }
0x5c: {  	s3 =	rddreg [dreg:$0x2];
	[bflag:$0x3] =	sbarrier.arrive $0xFFFF;
	s2 =	simm.s32 @!p0 $0x1C02  }
0x5d: {  	[timem:s3], [sflag:s2] =	dma.local @!p0 [hbm:s0], s1  }
0x5e: {  	s0 =	simm.s32 @!p0 $0x2  }
0x5f: {  	_ =	swait.ge @!p0 [sflag:s0], s1  }
0x60: {  	s1 =	ssub.s32 @!p0 $0x0, s1;
	[sflag:s0] =	ssyncset.done @!p0 $0x0  }
0x61: {  	[sflag:s0] =	ssyncadd.s32 @!p0 s1  }
0x62: {  	[bflag:$0x3] =	sbarrier.arrive $0xFFFF  }
0x63: {  	_ =	shalt  }

</sc_bundles>
